<compile_context>
chip_gen: v7x
topology: tpu7x:2x2x1
jax: 0.10.2.dev20260603
libtpu: 0.0.44.dev20260713+nightly
codegen_flags: <defaults>
</compile_context>

<pallas_src>
import functools

import jax
import jax.numpy as jnp
from jax import lax
from jax.experimental import pallas as pl
from jax.experimental.pallas import tpu as pltpu
from jax.experimental.pallas import tpu_sc as plsc

B = 16384
D = 32
PW = 128
NC = 2
NS = 16
NW = NC * NS
BPW = B // NW
CH = 128
NCH = BPW // CH


def _sc_gather(us_hbm, is_hbm, z_hbm, zu_out, zi_out,
               uidx_v, iidx_v, zu_v, zi_v, gsem, osem):
    wid = lax.axis_index("s") * NC + lax.axis_index("c")
    pltpu.sync_copy(us_hbm.at[pl.ds(wid * NCH, NCH)], uidx_v)
    pltpu.sync_copy(is_hbm.at[pl.ds(wid * NCH, NCH)], iidx_v)
    outs = []
    for c in range(NCH):
        gathers = [
            pltpu.async_copy(z_hbm.at[uidx_v.at[c]], zu_v, gsem),
            pltpu.async_copy(z_hbm.at[iidx_v.at[c]], zi_v, gsem),
        ]
        for g in gathers:
            g.wait()
        rows = pl.ds(wid * BPW + c * CH, CH)
        outs = [
            pltpu.async_copy(zu_v, zu_out.at[rows], osem),
            pltpu.async_copy(zi_v, zi_out.at[rows], osem),
        ]
        if c < NCH - 1:
            for o in outs:
                o.wait()
    for o in outs:
        o.wait()


@functools.cache
def _sc_gather_call():
    return functools.partial(
        pl.kernel,
        mesh=plsc.VectorSubcoreMesh(core_axis_name="c", subcore_axis_name="s"),
        out_type=[jax.ShapeDtypeStruct((B, PW), jnp.float32)] * 2,
        scratch_types=[
            pltpu.VMEM((NCH, CH), jnp.int32),
            pltpu.VMEM((NCH, CH), jnp.int32),
            pltpu.VMEM((CH, PW), jnp.float32),
            pltpu.VMEM((CH, PW), jnp.float32),
            pltpu.SemaphoreType.DMA,
            pltpu.SemaphoreType.DMA,
        ],
        compiler_params=pltpu.CompilerParams(use_tc_tiling_on_sc=True),
    )(_sc_gather)


BT = 2048


def _tc_body(zu, zi, w1u, w1i, b1, w2, b2, w3, b3, wog, woh, bo, out):
    gu = zu[:, 0:32]
    mu = zu[:, 32:64]
    gi = zi[:, 64:96]
    mi = zi[:, 96:128]
    h = (jnp.dot(mu, w1u[...], preferred_element_type=jnp.float32)
         + jnp.dot(mi, w1i[...], preferred_element_type=jnp.float32)
         + b1[...])
    h = jnp.maximum(h, 0.0)
    h = jnp.maximum(jnp.dot(h, w2[...], preferred_element_type=jnp.float32) + b2[...], 0.0)
    h = jnp.maximum(jnp.dot(h, w3[...], preferred_element_type=jnp.float32) + b3[...], 0.0)
    g = gu * gi
    out[...] = (jnp.sum(g * wog[...], axis=1) + jnp.sum(h * woh[...], axis=1)
                + bo[0, 0])


def _tc_mlp(zu, zi, w1u, w1i, b1, w2, b2, w3, b3, wog, woh, bo):
    rows = lambda: pl.BlockSpec((BT, PW), lambda i: (i, 0))
    full = lambda a: pl.BlockSpec(a.shape, lambda i: (0,) * a.ndim)
    return pl.pallas_call(
        _tc_body,
        grid=(B // BT,),
        in_specs=[rows(), rows(),
                  full(w1u), full(w1i), full(b1), full(w2), full(b2),
                  full(w3), full(b3), full(wog), full(woh), full(bo)],
        out_specs=pl.BlockSpec((BT,), lambda i: (i,)),
        out_shape=jax.ShapeDtypeStruct((B,), jnp.float32),
    )(zu, zi, w1u, w1i, b1, w2, b2, w3, b3, wog, woh, bo)


def kernel(user_ids, item_ids, gmf_user_w, gmf_item_w, mlp_user_w, mlp_item_w,
           W1, b1, W2, b2, W3, b3, Wo, bo):
    uid2 = user_ids.astype(jnp.int32).reshape(B // CH, CH)
    iid2 = item_ids.astype(jnp.int32).reshape(B // CH, CH)
    z = jnp.concatenate([gmf_user_w, mlp_user_w, gmf_item_w, mlp_item_w],
                        axis=1)
    zu, zi = _sc_gather_call()(uid2, iid2, z)
    w1u = W1[:, :D].T
    w1i = W1[:, D:].T
    out = _tc_mlp(zu, zi,
                  w1u, w1i, b1.reshape(1, -1),
                  W2.T, b2.reshape(1, -1),
                  W3.T, b3.reshape(1, -1),
                  Wo[:, :D], Wo[:, D:], bo.reshape(1, 1))
    return out

# --- scband reference (transcript-rebuilt; emitter-appended) ---
"""Pipeline reference for scband-neu-mf-88648124991389 (READ-ONLY COPY).

The authoritative reference and input builder live on the scoring server;
editing this copy changes nothing except your own understanding.
"""

import jax, jax.numpy as jnp
import numpy as np

B = 16384
N_USERS = 1000000
N_ITEMS = 1000000
GMF_DIM = 32
MLP_DIM = 32
HIDDEN = [64, 32, 16]


def setup_inputs(seed: int = 0) -> dict:
    key = jax.random.key(seed)
    ks = jax.random.split(key, 16)
    user_ids = jax.random.randint(ks[0], (B,), 0, N_USERS, dtype=jnp.int64 if jax.config.jax_enable_x64 else jnp.int32)
    item_ids = jax.random.randint(ks[1], (B,), 0, N_ITEMS, dtype=jnp.int64 if jax.config.jax_enable_x64 else jnp.int32)
    gmf_user_w = jax.random.normal(ks[2], (N_USERS, GMF_DIM), dtype=jnp.float32) * 0.01
    gmf_item_w = jax.random.normal(ks[3], (N_ITEMS, GMF_DIM), dtype=jnp.float32) * 0.01
    mlp_user_w = jax.random.normal(ks[4], (N_USERS, MLP_DIM), dtype=jnp.float32) * 0.01
    mlp_item_w = jax.random.normal(ks[5], (N_ITEMS, MLP_DIM), dtype=jnp.float32) * 0.01
    # MLP: 64 -> 64 -> 32 -> 16 (PyTorch Linear layout: [out, in])
    W1 = jax.random.normal(ks[6], (64, 64), dtype=jnp.float32) * 0.05
    b1 = jnp.zeros((64,), dtype=jnp.float32)
    W2 = jax.random.normal(ks[7], (32, 64), dtype=jnp.float32) * 0.05
    b2 = jnp.zeros((32,), dtype=jnp.float32)
    W3 = jax.random.normal(ks[8], (16, 32), dtype=jnp.float32) * 0.05
    b3 = jnp.zeros((16,), dtype=jnp.float32)
    # Output: (gmf_dim + 16) -> 1
    Wo = jax.random.normal(ks[9], (1, GMF_DIM + 16), dtype=jnp.float32) * 0.05
    bo = jnp.zeros((1,), dtype=jnp.float32)
    return {
        "user_ids": user_ids, "item_ids": item_ids,
        "gmf_user_w": gmf_user_w, "gmf_item_w": gmf_item_w,
        "mlp_user_w": mlp_user_w, "mlp_item_w": mlp_item_w,
        "W1": W1, "b1": b1, "W2": W2, "b2": b2, "W3": W3, "b3": b3,
        "Wo": Wo, "bo": bo,
    }


def reference(user_ids, item_ids, gmf_user_w, gmf_item_w, mlp_user_w, mlp_item_w,
              W1, b1, W2, b2, W3, b3, Wo, bo):
    # GMF branch: elementwise product of user/item embeddings
    gmf_user = jnp.take(gmf_user_w, user_ids, axis=0)
    gmf_item = jnp.take(gmf_item_w, item_ids, axis=0)
    gmf_output = gmf_user * gmf_item
    # MLP branch: concat embeddings, pass through MLP (dropout = identity in eval)
    mlp_user = jnp.take(mlp_user_w, user_ids, axis=0)
    mlp_item = jnp.take(mlp_item_w, item_ids, axis=0)
    h = jnp.concatenate([mlp_user, mlp_item], axis=-1)
    h = jax.nn.relu(h @ W1.T + b1)
    h = jax.nn.relu(h @ W2.T + b2)
    h = jax.nn.relu(h @ W3.T + b3)
    concat = jnp.concatenate([gmf_output, h], axis=-1)
    out = concat @ Wo.T + bo
    return jnp.squeeze(out, axis=-1)

if __name__ == "__main__":
    import jax
    _d = setup_inputs()
    print(jax.jit(kernel)(*tuple(_d.values())))

</pallas_src>

<mosaic_0001>
#map = affine_map<(d0, d1) -> (0, 0)>
module attributes {stable_mosaic.version = 14 : i64} {
  func.func @_sc_gather(%arg0: i32, %arg1: i32, %arg2: memref<128x128xi32, #tpu.memory_space<hbm>>, %arg3: memref<128x128xi32, #tpu.memory_space<hbm>>, %arg4: memref<1000000x128xf32, #tpu.memory_space<hbm>>, %arg5: memref<16384x128xf32, #tpu.memory_space<hbm>>, %arg6: memref<16384x128xf32, #tpu.memory_space<hbm>>, %arg7: memref<4x128xi32, #tpu.memory_space<vmem>>, %arg8: memref<4x128xi32, #tpu.memory_space<vmem>>, %arg9: memref<128x128xf32, #tpu.memory_space<vmem>>, %arg10: memref<128x128xf32, #tpu.memory_space<vmem>>, %arg11: memref<!tpu.dma_semaphore, #tpu.memory_space<semaphore_mem>>, %arg12: memref<!tpu.dma_semaphore, #tpu.memory_space<semaphore_mem>>) attributes {dimension_semantics = [#tpu.dimension_semantics<core_parallel>, #tpu.dimension_semantics<subcore_parallel>], iteration_bounds = array<i64: 2, 16>, scalar_prefetch = 0 : i64, scratch_operands = 6 : i64, tpu.core_type = #tpu.core_type<sc_vector_subcore>, window_params = [{transform_indices = #map}, {transform_indices = #map}, {transform_indices = #map}, {transform_indices = #map}, {transform_indices = #map}]} {
    %mul3A = arith.constant 2 : i32
    %mul3A_0 = arith.muli %arg1, %mul3A : i32
    %add3A = arith.addi %mul3A_0, %arg0 : i32
    %mul3A_1 = arith.constant 4 : i32
    %mul3A_2 = arith.muli %add3A, %mul3A_1 : i32
    "tpu.region"() ({
      %run_scoped3A = tpu.sem_alloc : memref<!tpu.dma_semaphore, #tpu.memory_space<semaphore_mem>>
      %dma_start3A_195 = arith.constant 0 : i32
      %dma_start3A_196 = tpu.memref_slice %arg2[%mul3A_2, %dma_start3A_195] : memref<128x128xi32, #tpu.memory_space<hbm>> -> memref<4x128xi32, #tpu.memory_space<hbm>>
      %dma_start3A_197 = arith.constant 0 : i32
      %dma_start3A_198 = tpu.memref_slice %arg2[%mul3A_2, %dma_start3A_197] : memref<128x128xi32, #tpu.memory_space<hbm>> -> memref<4x128xi32, #tpu.memory_space<hbm>>
      tpu.enqueue_dma source(%dma_start3A_198 : memref<4x128xi32, #tpu.memory_space<hbm>>) target(%arg7 : memref<4x128xi32, #tpu.memory_space<vmem>>) target_semaphore(%run_scoped3A : memref<!tpu.dma_semaphore, #tpu.memory_space<semaphore_mem>>)
      %dma_wait3A_199 = arith.constant 0 : i32
      %dma_wait3A_200 = tpu.memref_slice %arg2[%mul3A_2, %dma_wait3A_199] : memref<128x128xi32, #tpu.memory_space<hbm>> -> memref<4x128xi32, #tpu.memory_space<hbm>>
      %dma_wait3A_201 = arith.constant 0 : i32
      %dma_wait3A_202 = tpu.memref_slice %arg2[%mul3A_2, %dma_wait3A_201] : memref<128x128xi32, #tpu.memory_space<hbm>> -> memref<4x128xi32, #tpu.memory_space<hbm>>
      tpu.wait_dma2 semaphore(%run_scoped3A : memref<!tpu.dma_semaphore, #tpu.memory_space<semaphore_mem>>) src(%dma_wait3A_202 : memref<4x128xi32, #tpu.memory_space<hbm>>) dst(%arg7 : memref<4x128xi32, #tpu.memory_space<vmem>>)
      tpu.yield
    }) : () -> ()
    %mul3A_3 = arith.constant 4 : i32
    %mul3A_4 = arith.muli %add3A, %mul3A_3 : i32
    "tpu.region"() ({
      %run_scoped3A = tpu.sem_alloc : memref<!tpu.dma_semaphore, #tpu.memory_space<semaphore_mem>>
      %dma_start3A_195 = arith.constant 0 : i32
      %dma_start3A_196 = tpu.memref_slice %arg3[%mul3A_4, %dma_start3A_195] : memref<128x128xi32, #tpu.memory_space<hbm>> -> memref<4x128xi32, #tpu.memory_space<hbm>>
      %dma_start3A_197 = arith.constant 0 : i32
      %dma_start3A_198 = tpu.memref_slice %arg3[%mul3A_4, %dma_start3A_197] : memref<128x128xi32, #tpu.memory_space<hbm>> -> memref<4x128xi32, #tpu.memory_space<hbm>>
      tpu.enqueue_dma source(%dma_start3A_198 : memref<4x128xi32, #tpu.memory_space<hbm>>) target(%arg8 : memref<4x128xi32, #tpu.memory_space<vmem>>) target_semaphore(%run_scoped3A : memref<!tpu.dma_semaphore, #tpu.memory_space<semaphore_mem>>)
      %dma_wait3A_199 = arith.constant 0 : i32
      %dma_wait3A_200 = tpu.memref_slice %arg3[%mul3A_4, %dma_wait3A_199] : memref<128x128xi32, #tpu.memory_space<hbm>> -> memref<4x128xi32, #tpu.memory_space<hbm>>
      %dma_wait3A_201 = arith.constant 0 : i32
      %dma_wait3A_202 = tpu.memref_slice %arg3[%mul3A_4, %dma_wait3A_201] : memref<128x128xi32, #tpu.memory_space<hbm>> -> memref<4x128xi32, #tpu.memory_space<hbm>>
      tpu.wait_dma2 semaphore(%run_scoped3A : memref<!tpu.dma_semaphore, #tpu.memory_space<semaphore_mem>>) src(%dma_wait3A_202 : memref<4x128xi32, #tpu.memory_space<hbm>>) dst(%arg8 : memref<4x128xi32, #tpu.memory_space<vmem>>)
      tpu.yield
    }) : () -> ()
    %dma_start3A = arith.constant 0 : i32
    %dma_start3A_5 = arith.constant 0 : i32
    %dma_start3A_6 = tpu.memref_slice %arg7[%dma_start3A, %dma_start3A_5] : memref<4x128xi32, #tpu.memory_space<vmem>> -> memref<1x128xi32, #tpu.memory_space<vmem>>
    %dma_start3A_7 = tpu.memref_squeeze %dma_start3A_6 : memref<1x128xi32, #tpu.memory_space<vmem>> -> memref<128xi32, #tpu.memory_space<vmem>>
    %dma_start3A_8 = arith.constant 0 : i32
    %dma_start3A_9 = arith.constant 0 : i32
    %dma_start3A_10 = tpu.memref_slice %arg4[%dma_start3A_8, %dma_start3A_9] : memref<1000000x128xf32, #tpu.memory_space<hbm>> -> memref<1000000x128xf32, #tpu.memory_space<hbm>>
    tpu.enqueue_indirect_dma source(%dma_start3A_10 : memref<1000000x128xf32, #tpu.memory_space<hbm>>) target(%arg9 : memref<128x128xf32, #tpu.memory_space<vmem>>) offsets(%dma_start3A_7 : memref<128xi32, #tpu.memory_space<vmem>>) semaphore(%arg11 : memref<!tpu.dma_semaphore, #tpu.memory_space<semaphore_mem>>)
    %dma_start3A_11 = arith.constant 0 : i32
    %dma_start3A_12 = arith.constant 0 : i32
    %dma_start3A_13 = tpu.memref_slice %arg8[%dma_start3A_11, %dma_start3A_12] : memref<4x128xi32, #tpu.memory_space<vmem>> -> memref<1x128xi32, #tpu.memory_space<vmem>>
    %dma_start3A_14 = tpu.memref_squeeze %dma_start3A_13 : memref<1x128xi32, #tpu.memory_space<vmem>> -> memref<128xi32, #tpu.memory_space<vmem>>
    %dma_start3A_15 = arith.constant 0 : i32
    %dma_start3A_16 = arith.constant 0 : i32
    %dma_start3A_17 = tpu.memref_slice %arg4[%dma_start3A_15, %dma_start3A_16] : memref<1000000x128xf32, #tpu.memory_space<hbm>> -> memref<1000000x128xf32, #tpu.memory_space<hbm>>
    tpu.enqueue_indirect_dma source(%dma_start3A_17 : memref<1000000x128xf32, #tpu.memory_space<hbm>>) target(%arg10 : memref<128x128xf32, #tpu.memory_space<vmem>>) offsets(%dma_start3A_14 : memref<128xi32, #tpu.memory_space<vmem>>) semaphore(%arg11 : memref<!tpu.dma_semaphore, #tpu.memory_space<semaphore_mem>>)
    %dma_wait3A = arith.constant 0 : i32
    %dma_wait3A_18 = arith.constant 0 : i32
    %dma_wait3A_19 = tpu.memref_slice %arg7[%dma_wait3A, %dma_wait3A_18] : memref<4x128xi32, #tpu.memory_space<vmem>> -> memref<1x128xi32, #tpu.memory_space<vmem>>
    %dma_wait3A_20 = tpu.memref_squeeze %dma_wait3A_19 : memref<1x128xi32, #tpu.memory_space<vmem>> -> memref<128xi32, #tpu.memory_space<vmem>>
    %dma_wait3A_21 = arith.constant 0 : i32
    %dma_wait3A_22 = arith.constant 0 : i32
    %dma_wait3A_23 = tpu.memref_slice %arg4[%dma_wait3A_21, %dma_wait3A_22] : memref<1000000x128xf32, #tpu.memory_space<hbm>> -> memref<1000000x128xf32, #tpu.memory_space<hbm>>
    tpu.wait_indirect_dma semaphore(%arg11 : memref<!tpu.dma_semaphore, #tpu.memory_space<semaphore_mem>>) src(%dma_wait3A_23 : memref<1000000x128xf32, #tpu.memory_space<hbm>>) dst(%arg9 : memref<128x128xf32, #tpu.memory_space<vmem>>)
    %dma_wait3A_24 = arith.constant 0 : i32
    %dma_wait3A_25 = arith.constant 0 : i32
    %dma_wait3A_26 = tpu.memref_slice %arg8[%dma_wait3A_24, %dma_wait3A_25] : memref<4x128xi32, #tpu.memory_space<vmem>> -> memref<1x128xi32, #tpu.memory_space<vmem>>
    %dma_wait3A_27 = tpu.memref_squeeze %dma_wait3A_26 : memref<1x128xi32, #tpu.memory_space<vmem>> -> memref<128xi32, #tpu.memory_space<vmem>>
    %dma_wait3A_28 = arith.constant 0 : i32
    %dma_wait3A_29 = arith.constant 0 : i32
    %dma_wait3A_30 = tpu.memref_slice %arg4[%dma_wait3A_28, %dma_wait3A_29] : memref<1000000x128xf32, #tpu.memory_space<hbm>> -> memref<1000000x128xf32, #tpu.memory_space<hbm>>
    tpu.wait_indirect_dma semaphore(%arg11 : memref<!tpu.dma_semaphore, #tpu.memory_space<semaphore_mem>>) src(%dma_wait3A_30 : memref<1000000x128xf32, #tpu.memory_space<hbm>>) dst(%arg10 : memref<128x128xf32, #tpu.memory_space<vmem>>)
    %mul3A_31 = arith.constant 512 : i32
    %mul3A_32 = arith.muli %add3A, %mul3A_31 : i32
    %add3A_33 = arith.constant 0 : i32
    %add3A_34 = arith.addi %mul3A_32, %add3A_33 : i32
    %dma_start3A_35 = arith.constant 0 : i32
    %dma_start3A_36 = tpu.memref_slice %arg5[%add3A_34, %dma_start3A_35] : memref<16384x128xf32, #tpu.memory_space<hbm>> -> memref<128x128xf32, #tpu.memory_space<hbm>>
    %dma_start3A_37 = arith.constant 0 : i32
    %dma_start3A_38 = tpu.memref_slice %arg5[%add3A_34, %dma_start3A_37] : memref<16384x128xf32, #tpu.memory_space<hbm>> -> memref<128x128xf32, #tpu.memory_space<hbm>>
    tpu.enqueue_dma source(%arg9 : memref<128x128xf32, #tpu.memory_space<vmem>>) target(%dma_start3A_38 : memref<128x128xf32, #tpu.memory_space<hbm>>) target_semaphore(%arg12 : memref<!tpu.dma_semaphore, #tpu.memory_space<semaphore_mem>>)
    %dma_start3A_39 = arith.constant 0 : i32
    %dma_start3A_40 = tpu.memref_slice %arg6[%add3A_34, %dma_start3A_39] : memref<16384x128xf32, #tpu.memory_space<hbm>> -> memref<128x128xf32, #tpu.memory_space<hbm>>
    %dma_start3A_41 = arith.constant 0 : i32
    %dma_start3A_42 = tpu.memref_slice %arg6[%add3A_34, %dma_start3A_41] : memref<16384x128xf32, #tpu.memory_space<hbm>> -> memref<128x128xf32, #tpu.memory_space<hbm>>
    tpu.enqueue_dma source(%arg10 : memref<128x128xf32, #tpu.memory_space<vmem>>) target(%dma_start3A_42 : memref<128x128xf32, #tpu.memory_space<hbm>>) target_semaphore(%arg12 : memref<!tpu.dma_semaphore, #tpu.memory_space<semaphore_mem>>)
    %dma_wait3A_43 = arith.constant 0 : i32
    %dma_wait3A_44 = tpu.memref_slice %arg5[%add3A_34, %dma_wait3A_43] : memref<16384x128xf32, #tpu.memory_space<hbm>> -> memref<128x128xf32, #tpu.memory_space<hbm>>
    %dma_wait3A_45 = arith.constant 0 : i32
    %dma_wait3A_46 = tpu.memref_slice %arg5[%add3A_34, %dma_wait3A_45] : memref<16384x128xf32, #tpu.memory_space<hbm>> -> memref<128x128xf32, #tpu.memory_space<hbm>>
    tpu.wait_dma2 semaphore(%arg12 : memref<!tpu.dma_semaphore, #tpu.memory_space<semaphore_mem>>) src(%arg9 : memref<128x128xf32, #tpu.memory_space<vmem>>) dst(%dma_wait3A_46 : memref<128x128xf32, #tpu.memory_space<hbm>>)
    %dma_wait3A_47 = arith.constant 0 : i32
    %dma_wait3A_48 = tpu.memref_slice %arg6[%add3A_34, %dma_wait3A_47] : memref<16384x128xf32, #tpu.memory_space<hbm>> -> memref<128x128xf32, #tpu.memory_space<hbm>>
    %dma_wait3A_49 = arith.constant 0 : i32
    %dma_wait3A_50 = tpu.memref_slice %arg6[%add3A_34, %dma_wait3A_49] : memref<16384x128xf32, #tpu.memory_space<hbm>> -> memref<128x128xf32, #tpu.memory_space<hbm>>
    tpu.wait_dma2 semaphore(%arg12 : memref<!tpu.dma_semaphore, #tpu.memory_space<semaphore_mem>>) src(%arg10 : memref<128x128xf32, #tpu.memory_space<vmem>>) dst(%dma_wait3A_50 : memref<128x128xf32, #tpu.memory_space<hbm>>)
    %dma_start3A_51 = arith.constant 1 : i32
    %dma_start3A_52 = arith.constant 0 : i32
    %dma_start3A_53 = tpu.memref_slice %arg7[%dma_start3A_51, %dma_start3A_52] : memref<4x128xi32, #tpu.memory_space<vmem>> -> memref<1x128xi32, #tpu.memory_space<vmem>>
    %dma_start3A_54 = tpu.memref_squeeze %dma_start3A_53 : memref<1x128xi32, #tpu.memory_space<vmem>> -> memref<128xi32, #tpu.memory_space<vmem>>
    %dma_start3A_55 = arith.constant 0 : i32
    %dma_start3A_56 = arith.constant 0 : i32
    %dma_start3A_57 = tpu.memref_slice %arg4[%dma_start3A_55, %dma_start3A_56] : memref<1000000x128xf32, #tpu.memory_space<hbm>> -> memref<1000000x128xf32, #tpu.memory_space<hbm>>
    tpu.enqueue_indirect_dma source(%dma_start3A_57 : memref<1000000x128xf32, #tpu.memory_space<hbm>>) target(%arg9 : memref<128x128xf32, #tpu.memory_space<vmem>>) offsets(%dma_start3A_54 : memref<128xi32, #tpu.memory_space<vmem>>) semaphore(%arg11 : memref<!tpu.dma_semaphore, #tpu.memory_space<semaphore_mem>>)
    %dma_start3A_58 = arith.constant 1 : i32
    %dma_start3A_59 = arith.constant 0 : i32
    %dma_start3A_60 = tpu.memref_slice %arg8[%dma_start3A_58, %dma_start3A_59] : memref<4x128xi32, #tpu.memory_space<vmem>> -> memref<1x128xi32, #tpu.memory_space<vmem>>
    %dma_start3A_61 = tpu.memref_squeeze %dma_start3A_60 : memref<1x128xi32, #tpu.memory_space<vmem>> -> memref<128xi32, #tpu.memory_space<vmem>>
    %dma_start3A_62 = arith.constant 0 : i32
    %dma_start3A_63 = arith.constant 0 : i32
    %dma_start3A_64 = tpu.memref_slice %arg4[%dma_start3A_62, %dma_start3A_63] : memref<1000000x128xf32, #tpu.memory_space<hbm>> -> memref<1000000x128xf32, #tpu.memory_space<hbm>>
    tpu.enqueue_indirect_dma source(%dma_start3A_64 : memref<1000000x128xf32, #tpu.memory_space<hbm>>) target(%arg10 : memref<128x128xf32, #tpu.memory_space<vmem>>) offsets(%dma_start3A_61 : memref<128xi32, #tpu.memory_space<vmem>>) semaphore(%arg11 : memref<!tpu.dma_semaphore, #tpu.memory_space<semaphore_mem>>)
    %dma_wait3A_65 = arith.constant 1 : i32
    %dma_wait3A_66 = arith.constant 0 : i32
    %dma_wait3A_67 = tpu.memref_slice %arg7[%dma_wait3A_65, %dma_wait3A_66] : memref<4x128xi32, #tpu.memory_space<vmem>> -> memref<1x128xi32, #tpu.memory_space<vmem>>
    %dma_wait3A_68 = tpu.memref_squeeze %dma_wait3A_67 : memref<1x128xi32, #tpu.memory_space<vmem>> -> memref<128xi32, #tpu.memory_space<vmem>>
    %dma_wait3A_69 = arith.constant 0 : i32
    %dma_wait3A_70 = arith.constant 0 : i32
    %dma_wait3A_71 = tpu.memref_slice %arg4[%dma_wait3A_69, %dma_wait3A_70] : memref<1000000x128xf32, #tpu.memory_space<hbm>> -> memref<1000000x128xf32, #tpu.memory_space<hbm>>
    tpu.wait_indirect_dma semaphore(%arg11 : memref<!tpu.dma_semaphore, #tpu.memory_space<semaphore_mem>>) src(%dma_wait3A_71 : memref<1000000x128xf32, #tpu.memory_space<hbm>>) dst(%arg9 : memref<128x128xf32, #tpu.memory_space<vmem>>)
    %dma_wait3A_72 = arith.constant 1 : i32
    %dma_wait3A_73 = arith.constant 0 : i32
    %dma_wait3A_74 = tpu.memref_slice %arg8[%dma_wait3A_72, %dma_wait3A_73] : memref<4x128xi32, #tpu.memory_space<vmem>> -> memref<1x128xi32, #tpu.memory_space<vmem>>
    %dma_wait3A_75 = tpu.memref_squeeze %dma_wait3A_74 : memref<1x128xi32, #tpu.memory_space<vmem>> -> memref<128xi32, #tpu.memory_space<vmem>>
    %dma_wait3A_76 = arith.constant 0 : i32
    %dma_wait3A_77 = arith.constant 0 : i32
    %dma_wait3A_78 = tpu.memref_slice %arg4[%dma_wait3A_76, %dma_wait3A_77] : memref<1000000x128xf32, #tpu.memory_space<hbm>> -> memref<1000000x128xf32, #tpu.memory_space<hbm>>
    tpu.wait_indirect_dma semaphore(%arg11 : memref<!tpu.dma_semaphore, #tpu.memory_space<semaphore_mem>>) src(%dma_wait3A_78 : memref<1000000x128xf32, #tpu.memory_space<hbm>>) dst(%arg10 : memref<128x128xf32, #tpu.memory_space<vmem>>)
    %mul3A_79 = arith.constant 512 : i32
    %mul3A_80 = arith.muli %add3A, %mul3A_79 : i32
    %add3A_81 = arith.constant 128 : i32
    %add3A_82 = arith.addi %mul3A_80, %add3A_81 : i32
    %dma_start3A_83 = arith.constant 0 : i32
    %dma_start3A_84 = tpu.memref_slice %arg5[%add3A_82, %dma_start3A_83] : memref<16384x128xf32, #tpu.memory_space<hbm>> -> memref<128x128xf32, #tpu.memory_space<hbm>>
    %dma_start3A_85 = arith.constant 0 : i32
    %dma_start3A_86 = tpu.memref_slice %arg5[%add3A_82, %dma_start3A_85] : memref<16384x128xf32, #tpu.memory_space<hbm>> -> memref<128x128xf32, #tpu.memory_space<hbm>>
    tpu.enqueue_dma source(%arg9 : memref<128x128xf32, #tpu.memory_space<vmem>>) target(%dma_start3A_86 : memref<128x128xf32, #tpu.memory_space<hbm>>) target_semaphore(%arg12 : memref<!tpu.dma_semaphore, #tpu.memory_space<semaphore_mem>>)
    %dma_start3A_87 = arith.constant 0 : i32
    %dma_start3A_88 = tpu.memref_slice %arg6[%add3A_82, %dma_start3A_87] : memref<16384x128xf32, #tpu.memory_space<hbm>> -> memref<128x128xf32, #tpu.memory_space<hbm>>
    %dma_start3A_89 = arith.constant 0 : i32
    %dma_start3A_90 = tpu.memref_slice %arg6[%add3A_82, %dma_start3A_89] : memref<16384x128xf32, #tpu.memory_space<hbm>> -> memref<128x128xf32, #tpu.memory_space<hbm>>
    tpu.enqueue_dma source(%arg10 : memref<128x128xf32, #tpu.memory_space<vmem>>) target(%dma_start3A_90 : memref<128x128xf32, #tpu.memory_space<hbm>>) target_semaphore(%arg12 : memref<!tpu.dma_semaphore, #tpu.memory_space<semaphore_mem>>)
    %dma_wait3A_91 = arith.constant 0 : i32
    %dma_wait3A_92 = tpu.memref_slice %arg5[%add3A_82, %dma_wait3A_91] : memref<16384x128xf32, #tpu.memory_space<hbm>> -> memref<128x128xf32, #tpu.memory_space<hbm>>
    %dma_wait3A_93 = arith.constant 0 : i32
    %dma_wait3A_94 = tpu.memref_slice %arg5[%add3A_82, %dma_wait3A_93] : memref<16384x128xf32, #tpu.memory_space<hbm>> -> memref<128x128xf32, #tpu.memory_space<hbm>>
    tpu.wait_dma2 semaphore(%arg12 : memref<!tpu.dma_semaphore, #tpu.memory_space<semaphore_mem>>) src(%arg9 : memref<128x128xf32, #tpu.memory_space<vmem>>) dst(%dma_wait3A_94 : memref<128x128xf32, #tpu.memory_space<hbm>>)
    %dma_wait3A_95 = arith.constant 0 : i32
    %dma_wait3A_96 = tpu.memref_slice %arg6[%add3A_82, %dma_wait3A_95] : memref<16384x128xf32, #tpu.memory_space<hbm>> -> memref<128x128xf32, #tpu.memory_space<hbm>>
    %dma_wait3A_97 = arith.constant 0 : i32
    %dma_wait3A_98 = tpu.memref_slice %arg6[%add3A_82, %dma_wait3A_97] : memref<16384x128xf32, #tpu.memory_space<hbm>> -> memref<128x128xf32, #tpu.memory_space<hbm>>
    tpu.wait_dma2 semaphore(%arg12 : memref<!tpu.dma_semaphore, #tpu.memory_space<semaphore_mem>>) src(%arg10 : memref<128x128xf32, #tpu.memory_space<vmem>>) dst(%dma_wait3A_98 : memref<128x128xf32, #tpu.memory_space<hbm>>)
    %dma_start3A_99 = arith.constant 2 : i32
    %dma_start3A_100 = arith.constant 0 : i32
    %dma_start3A_101 = tpu.memref_slice %arg7[%dma_start3A_99, %dma_start3A_100] : memref<4x128xi32, #tpu.memory_space<vmem>> -> memref<1x128xi32, #tpu.memory_space<vmem>>
    %dma_start3A_102 = tpu.memref_squeeze %dma_start3A_101 : memref<1x128xi32, #tpu.memory_space<vmem>> -> memref<128xi32, #tpu.memory_space<vmem>>
    %dma_start3A_103 = arith.constant 0 : i32
    %dma_start3A_104 = arith.constant 0 : i32
    %dma_start3A_105 = tpu.memref_slice %arg4[%dma_start3A_103, %dma_start3A_104] : memref<1000000x128xf32, #tpu.memory_space<hbm>> -> memref<1000000x128xf32, #tpu.memory_space<hbm>>
    tpu.enqueue_indirect_dma source(%dma_start3A_105 : memref<1000000x128xf32, #tpu.memory_space<hbm>>) target(%arg9 : memref<128x128xf32, #tpu.memory_space<vmem>>) offsets(%dma_start3A_102 : memref<128xi32, #tpu.memory_space<vmem>>) semaphore(%arg11 : memref<!tpu.dma_semaphore, #tpu.memory_space<semaphore_mem>>)
    %dma_start3A_106 = arith.constant 2 : i32
    %dma_start3A_107 = arith.constant 0 : i32
    %dma_start3A_108 = tpu.memref_slice %arg8[%dma_start3A_106, %dma_start3A_107] : memref<4x128xi32, #tpu.memory_space<vmem>> -> memref<1x128xi32, #tpu.memory_space<vmem>>
    %dma_start3A_109 = tpu.memref_squeeze %dma_start3A_108 : memref<1x128xi32, #tpu.memory_space<vmem>> -> memref<128xi32, #tpu.memory_space<vmem>>
    %dma_start3A_110 = arith.constant 0 : i32
    %dma_start3A_111 = arith.constant 0 : i32
    %dma_start3A_112 = tpu.memref_slice %arg4[%dma_start3A_110, %dma_start3A_111] : memref<1000000x128xf32, #tpu.memory_space<hbm>> -> memref<1000000x128xf32, #tpu.memory_space<hbm>>
    tpu.enqueue_indirect_dma source(%dma_start3A_112 : memref<1000000x128xf32, #tpu.memory_space<hbm>>) target(%arg10 : memref<128x128xf32, #tpu.memory_space<vmem>>) offsets(%dma_start3A_109 : memref<128xi32, #tpu.memory_space<vmem>>) semaphore(%arg11 : memref<!tpu.dma_semaphore, #tpu.memory_space<semaphore_mem>>)
    %dma_wait3A_113 = arith.constant 2 : i32
    %dma_wait3A_114 = arith.constant 0 : i32
    %dma_wait3A_115 = tpu.memref_slice %arg7[%dma_wait3A_113, %dma_wait3A_114] : memref<4x128xi32, #tpu.memory_space<vmem>> -> memref<1x128xi32, #tpu.memory_space<vmem>>
    %dma_wait3A_116 = tpu.memref_squeeze %dma_wait3A_115 : memref<1x128xi32, #tpu.memory_space<vmem>> -> memref<128xi32, #tpu.memory_space<vmem>>
    %dma_wait3A_117 = arith.constant 0 : i32
    %dma_wait3A_118 = arith.constant 0 : i32
    %dma_wait3A_119 = tpu.memref_slice %arg4[%dma_wait3A_117, %dma_wait3A_118] : memref<1000000x128xf32, #tpu.memory_space<hbm>> -> memref<1000000x128xf32, #tpu.memory_space<hbm>>
    tpu.wait_indirect_dma semaphore(%arg11 : memref<!tpu.dma_semaphore, #tpu.memory_space<semaphore_mem>>) src(%dma_wait3A_119 : memref<1000000x128xf32, #tpu.memory_space<hbm>>) dst(%arg9 : memref<128x128xf32, #tpu.memory_space<vmem>>)
    %dma_wait3A_120 = arith.constant 2 : i32
    %dma_wait3A_121 = arith.constant 0 : i32
    %dma_wait3A_122 = tpu.memref_slice %arg8[%dma_wait3A_120, %dma_wait3A_121] : memref<4x128xi32, #tpu.memory_space<vmem>> -> memref<1x128xi32, #tpu.memory_space<vmem>>
    %dma_wait3A_123 = tpu.memref_squeeze %dma_wait3A_122 : memref<1x128xi32, #tpu.memory_space<vmem>> -> memref<128xi32, #tpu.memory_space<vmem>>
    %dma_wait3A_124 = arith.constant 0 : i32
    %dma_wait3A_125 = arith.constant 0 : i32
    %dma_wait3A_126 = tpu.memref_slice %arg4[%dma_wait3A_124, %dma_wait3A_125] : memref<1000000x128xf32, #tpu.memory_space<hbm>> -> memref<1000000x128xf32, #tpu.memory_space<hbm>>
    tpu.wait_indirect_dma semaphore(%arg11 : memref<!tpu.dma_semaphore, #tpu.memory_space<semaphore_mem>>) src(%dma_wait3A_126 : memref<1000000x128xf32, #tpu.memory_space<hbm>>) dst(%arg10 : memref<128x128xf32, #tpu.memory_space<vmem>>)
    %mul3A_127 = arith.constant 512 : i32
    %mul3A_128 = arith.muli %add3A, %mul3A_127 : i32
    %add3A_129 = arith.constant 256 : i32
    %add3A_130 = arith.addi %mul3A_128, %add3A_129 : i32
    %dma_start3A_131 = arith.constant 0 : i32
    %dma_start3A_132 = tpu.memref_slice %arg5[%add3A_130, %dma_start3A_131] : memref<16384x128xf32, #tpu.memory_space<hbm>> -> memref<128x128xf32, #tpu.memory_space<hbm>>
    %dma_start3A_133 = arith.constant 0 : i32
    %dma_start3A_134 = tpu.memref_slice %arg5[%add3A_130, %dma_start3A_133] : memref<16384x128xf32, #tpu.memory_space<hbm>> -> memref<128x128xf32, #tpu.memory_space<hbm>>
    tpu.enqueue_dma source(%arg9 : memref<128x128xf32, #tpu.memory_space<vmem>>) target(%dma_start3A_134 : memref<128x128xf32, #tpu.memory_space<hbm>>) target_semaphore(%arg12 : memref<!tpu.dma_semaphore, #tpu.memory_space<semaphore_mem>>)
    %dma_start3A_135 = arith.constant 0 : i32
    %dma_start3A_136 = tpu.memref_slice %arg6[%add3A_130, %dma_start3A_135] : memref<16384x128xf32, #tpu.memory_space<hbm>> -> memref<128x128xf32, #tpu.memory_space<hbm>>
    %dma_start3A_137 = arith.constant 0 : i32
    %dma_start3A_138 = tpu.memref_slice %arg6[%add3A_130, %dma_start3A_137] : memref<16384x128xf32, #tpu.memory_space<hbm>> -> memref<128x128xf32, #tpu.memory_space<hbm>>
    tpu.enqueue_dma source(%arg10 : memref<128x128xf32, #tpu.memory_space<vmem>>) target(%dma_start3A_138 : memref<128x128xf32, #tpu.memory_space<hbm>>) target_semaphore(%arg12 : memref<!tpu.dma_semaphore, #tpu.memory_space<semaphore_mem>>)
    %dma_wait3A_139 = arith.constant 0 : i32
    %dma_wait3A_140 = tpu.memref_slice %arg5[%add3A_130, %dma_wait3A_139] : memref<16384x128xf32, #tpu.memory_space<hbm>> -> memref<128x128xf32, #tpu.memory_space<hbm>>
    %dma_wait3A_141 = arith.constant 0 : i32
    %dma_wait3A_142 = tpu.memref_slice %arg5[%add3A_130, %dma_wait3A_141] : memref<16384x128xf32, #tpu.memory_space<hbm>> -> memref<128x128xf32, #tpu.memory_space<hbm>>
    tpu.wait_dma2 semaphore(%arg12 : memref<!tpu.dma_semaphore, #tpu.memory_space<semaphore_mem>>) src(%arg9 : memref<128x128xf32, #tpu.memory_space<vmem>>) dst(%dma_wait3A_142 : memref<128x128xf32, #tpu.memory_space<hbm>>)
    %dma_wait3A_143 = arith.constant 0 : i32
    %dma_wait3A_144 = tpu.memref_slice %arg6[%add3A_130, %dma_wait3A_143] : memref<16384x128xf32, #tpu.memory_space<hbm>> -> memref<128x128xf32, #tpu.memory_space<hbm>>
    %dma_wait3A_145 = arith.constant 0 : i32
    %dma_wait3A_146 = tpu.memref_slice %arg6[%add3A_130, %dma_wait3A_145] : memref<16384x128xf32, #tpu.memory_space<hbm>> -> memref<128x128xf32, #tpu.memory_space<hbm>>
    tpu.wait_dma2 semaphore(%arg12 : memref<!tpu.dma_semaphore, #tpu.memory_space<semaphore_mem>>) src(%arg10 : memref<128x128xf32, #tpu.memory_space<vmem>>) dst(%dma_wait3A_146 : memref<128x128xf32, #tpu.memory_space<hbm>>)
    %dma_start3A_147 = arith.constant 3 : i32
    %dma_start3A_148 = arith.constant 0 : i32
    %dma_start3A_149 = tpu.memref_slice %arg7[%dma_start3A_147, %dma_start3A_148] : memref<4x128xi32, #tpu.memory_space<vmem>> -> memref<1x128xi32, #tpu.memory_space<vmem>>
    %dma_start3A_150 = tpu.memref_squeeze %dma_start3A_149 : memref<1x128xi32, #tpu.memory_space<vmem>> -> memref<128xi32, #tpu.memory_space<vmem>>
    %dma_start3A_151 = arith.constant 0 : i32
    %dma_start3A_152 = arith.constant 0 : i32
    %dma_start3A_153 = tpu.memref_slice %arg4[%dma_start3A_151, %dma_start3A_152] : memref<1000000x128xf32, #tpu.memory_space<hbm>> -> memref<1000000x128xf32, #tpu.memory_space<hbm>>
    tpu.enqueue_indirect_dma source(%dma_start3A_153 : memref<1000000x128xf32, #tpu.memory_space<hbm>>) target(%arg9 : memref<128x128xf32, #tpu.memory_space<vmem>>) offsets(%dma_start3A_150 : memref<128xi32, #tpu.memory_space<vmem>>) semaphore(%arg11 : memref<!tpu.dma_semaphore, #tpu.memory_space<semaphore_mem>>)
    %dma_start3A_154 = arith.constant 3 : i32
    %dma_start3A_155 = arith.constant 0 : i32
    %dma_start3A_156 = tpu.memref_slice %arg8[%dma_start3A_154, %dma_start3A_155] : memref<4x128xi32, #tpu.memory_space<vmem>> -> memref<1x128xi32, #tpu.memory_space<vmem>>
    %dma_start3A_157 = tpu.memref_squeeze %dma_start3A_156 : memref<1x128xi32, #tpu.memory_space<vmem>> -> memref<128xi32, #tpu.memory_space<vmem>>
    %dma_start3A_158 = arith.constant 0 : i32
    %dma_start3A_159 = arith.constant 0 : i32
    %dma_start3A_160 = tpu.memref_slice %arg4[%dma_start3A_158, %dma_start3A_159] : memref<1000000x128xf32, #tpu.memory_space<hbm>> -> memref<1000000x128xf32, #tpu.memory_space<hbm>>
    tpu.enqueue_indirect_dma source(%dma_start3A_160 : memref<1000000x128xf32, #tpu.memory_space<hbm>>) target(%arg10 : memref<128x128xf32, #tpu.memory_space<vmem>>) offsets(%dma_start3A_157 : memref<128xi32, #tpu.memory_space<vmem>>) semaphore(%arg11 : memref<!tpu.dma_semaphore, #tpu.memory_space<semaphore_mem>>)
    %dma_wait3A_161 = arith.constant 3 : i32
    %dma_wait3A_162 = arith.constant 0 : i32
    %dma_wait3A_163 = tpu.memref_slice %arg7[%dma_wait3A_161, %dma_wait3A_162] : memref<4x128xi32, #tpu.memory_space<vmem>> -> memref<1x128xi32, #tpu.memory_space<vmem>>
    %dma_wait3A_164 = tpu.memref_squeeze %dma_wait3A_163 : memref<1x128xi32, #tpu.memory_space<vmem>> -> memref<128xi32, #tpu.memory_space<vmem>>
    %dma_wait3A_165 = arith.constant 0 : i32
    %dma_wait3A_166 = arith.constant 0 : i32
    %dma_wait3A_167 = tpu.memref_slice %arg4[%dma_wait3A_165, %dma_wait3A_166] : memref<1000000x128xf32, #tpu.memory_space<hbm>> -> memref<1000000x128xf32, #tpu.memory_space<hbm>>
    tpu.wait_indirect_dma semaphore(%arg11 : memref<!tpu.dma_semaphore, #tpu.memory_space<semaphore_mem>>) src(%dma_wait3A_167 : memref<1000000x128xf32, #tpu.memory_space<hbm>>) dst(%arg9 : memref<128x128xf32, #tpu.memory_space<vmem>>)
    %dma_wait3A_168 = arith.constant 3 : i32
    %dma_wait3A_169 = arith.constant 0 : i32
    %dma_wait3A_170 = tpu.memref_slice %arg8[%dma_wait3A_168, %dma_wait3A_169] : memref<4x128xi32, #tpu.memory_space<vmem>> -> memref<1x128xi32, #tpu.memory_space<vmem>>
    %dma_wait3A_171 = tpu.memref_squeeze %dma_wait3A_170 : memref<1x128xi32, #tpu.memory_space<vmem>> -> memref<128xi32, #tpu.memory_space<vmem>>
    %dma_wait3A_172 = arith.constant 0 : i32
    %dma_wait3A_173 = arith.constant 0 : i32
    %dma_wait3A_174 = tpu.memref_slice %arg4[%dma_wait3A_172, %dma_wait3A_173] : memref<1000000x128xf32, #tpu.memory_space<hbm>> -> memref<1000000x128xf32, #tpu.memory_space<hbm>>
    tpu.wait_indirect_dma semaphore(%arg11 : memref<!tpu.dma_semaphore, #tpu.memory_space<semaphore_mem>>) src(%dma_wait3A_174 : memref<1000000x128xf32, #tpu.memory_space<hbm>>) dst(%arg10 : memref<128x128xf32, #tpu.memory_space<vmem>>)
    %mul3A_175 = arith.constant 512 : i32
    %mul3A_176 = arith.muli %add3A, %mul3A_175 : i32
    %add3A_177 = arith.constant 384 : i32
    %add3A_178 = arith.addi %mul3A_176, %add3A_177 : i32
    %dma_start3A_179 = arith.constant 0 : i32
    %dma_start3A_180 = tpu.memref_slice %arg5[%add3A_178, %dma_start3A_179] : memref<16384x128xf32, #tpu.memory_space<hbm>> -> memref<128x128xf32, #tpu.memory_space<hbm>>
    %dma_start3A_181 = arith.constant 0 : i32
    %dma_start3A_182 = tpu.memref_slice %arg5[%add3A_178, %dma_start3A_181] : memref<16384x128xf32, #tpu.memory_space<hbm>> -> memref<128x128xf32, #tpu.memory_space<hbm>>
    tpu.enqueue_dma source(%arg9 : memref<128x128xf32, #tpu.memory_space<vmem>>) target(%dma_start3A_182 : memref<128x128xf32, #tpu.memory_space<hbm>>) target_semaphore(%arg12 : memref<!tpu.dma_semaphore, #tpu.memory_space<semaphore_mem>>)
    %dma_start3A_183 = arith.constant 0 : i32
    %dma_start3A_184 = tpu.memref_slice %arg6[%add3A_178, %dma_start3A_183] : memref<16384x128xf32, #tpu.memory_space<hbm>> -> memref<128x128xf32, #tpu.memory_space<hbm>>
    %dma_start3A_185 = arith.constant 0 : i32
    %dma_start3A_186 = tpu.memref_slice %arg6[%add3A_178, %dma_start3A_185] : memref<16384x128xf32, #tpu.memory_space<hbm>> -> memref<128x128xf32, #tpu.memory_space<hbm>>
    tpu.enqueue_dma source(%arg10 : memref<128x128xf32, #tpu.memory_space<vmem>>) target(%dma_start3A_186 : memref<128x128xf32, #tpu.memory_space<hbm>>) target_semaphore(%arg12 : memref<!tpu.dma_semaphore, #tpu.memory_space<semaphore_mem>>)
    %dma_wait3A_187 = arith.constant 0 : i32
    %dma_wait3A_188 = tpu.memref_slice %arg5[%add3A_178, %dma_wait3A_187] : memref<16384x128xf32, #tpu.memory_space<hbm>> -> memref<128x128xf32, #tpu.memory_space<hbm>>
    %dma_wait3A_189 = arith.constant 0 : i32
    %dma_wait3A_190 = tpu.memref_slice %arg5[%add3A_178, %dma_wait3A_189] : memref<16384x128xf32, #tpu.memory_space<hbm>> -> memref<128x128xf32, #tpu.memory_space<hbm>>
    tpu.wait_dma2 semaphore(%arg12 : memref<!tpu.dma_semaphore, #tpu.memory_space<semaphore_mem>>) src(%arg9 : memref<128x128xf32, #tpu.memory_space<vmem>>) dst(%dma_wait3A_190 : memref<128x128xf32, #tpu.memory_space<hbm>>)
    %dma_wait3A_191 = arith.constant 0 : i32
    %dma_wait3A_192 = tpu.memref_slice %arg6[%add3A_178, %dma_wait3A_191] : memref<16384x128xf32, #tpu.memory_space<hbm>> -> memref<128x128xf32, #tpu.memory_space<hbm>>
    %dma_wait3A_193 = arith.constant 0 : i32
    %dma_wait3A_194 = tpu.memref_slice %arg6[%add3A_178, %dma_wait3A_193] : memref<16384x128xf32, #tpu.memory_space<hbm>> -> memref<128x128xf32, #tpu.memory_space<hbm>>
    tpu.wait_dma2 semaphore(%arg12 : memref<!tpu.dma_semaphore, #tpu.memory_space<semaphore_mem>>) src(%arg10 : memref<128x128xf32, #tpu.memory_space<vmem>>) dst(%dma_wait3A_194 : memref<128x128xf32, #tpu.memory_space<hbm>>)
    return
  }
}

module attributes {stable_mosaic.version = 14 : i64} {
  func.func @_tc_body(%arg0: i32, %arg1: memref<2048x128xf32, #tpu.memory_space<vmem>>, %arg2: memref<2048x128xf32, #tpu.memory_space<vmem>>, %arg3: memref<32x64xf32, #tpu.memory_space<vmem>>, %arg4: memref<32x64xf32, #tpu.memory_space<vmem>>, %arg5: memref<1x64xf32, #tpu.memory_space<vmem>>, %arg6: memref<64x32xf32, #tpu.memory_space<vmem>>, %arg7: memref<1x32xf32, #tpu.memory_space<vmem>>, %arg8: memref<32x16xf32, #tpu.memory_space<vmem>>, %arg9: memref<1x16xf32, #tpu.memory_space<vmem>>, %arg10: memref<1x32xf32, #tpu.memory_space<vmem>>, %arg11: memref<1x16xf32, #tpu.memory_space<vmem>>, %arg12: memref<1x1xf32, #tpu.memory_space<vmem>>, %arg13: memref<2048xf32, #tpu.memory_space<vmem>>) attributes {dimension_semantics = [#tpu.dimension_semantics<arbitrary>], iteration_bounds = array<i64: 8>, scalar_prefetch = 0 : i64, scratch_operands = 0 : i64, tpu.core_type = #tpu.core_type<tc>, window_params = [{transform_indices = @transform_0, window_bounds = array<i64: 2048, 128>}, {transform_indices = @transform_1, window_bounds = array<i64: 2048, 128>}, {pipeline_mode = #tpu.pipeline_mode<synchronous>, transform_indices = @transform_2, window_bounds = array<i64: 32, 64>}, {pipeline_mode = #tpu.pipeline_mode<synchronous>, transform_indices = @transform_3, window_bounds = array<i64: 32, 64>}, {pipeline_mode = #tpu.pipeline_mode<synchronous>, transform_indices = @transform_4, window_bounds = array<i64: 1, 64>}, {pipeline_mode = #tpu.pipeline_mode<synchronous>, transform_indices = @transform_5, window_bounds = array<i64: 64, 32>}, {pipeline_mode = #tpu.pipeline_mode<synchronous>, transform_indices = @transform_6, window_bounds = array<i64: 1, 32>}, {pipeline_mode = #tpu.pipeline_mode<synchronous>, transform_indices = @transform_7, window_bounds = array<i64: 32, 16>}, {pipeline_mode = #tpu.pipeline_mode<synchronous>, transform_indices = @transform_8, window_bounds = array<i64: 1, 16>}, {pipeline_mode = #tpu.pipeline_mode<synchronous>, transform_indices = @transform_9, window_bounds = array<i64: 1, 32>}, {pipeline_mode = #tpu.pipeline_mode<synchronous>, transform_indices = @transform_10, window_bounds = array<i64: 1, 16>}, {pipeline_mode = #tpu.pipeline_mode<synchronous>, transform_indices = @transform_11, window_bounds = array<i64: 1, 1>}, {transform_indices = @transform_12, window_bounds = array<i64: 2048>}]} {
    %get3A = arith.constant 0 : index
    %get3A_0 = arith.constant 0 : index
    %get3A_1 = vector.load %arg1[%get3A, %get3A_0] : memref<2048x128xf32, #tpu.memory_space<vmem>>, vector<2048x32xf32>
    %get3A_2 = arith.constant 0 : index
    %get3A_3 = arith.constant 32 : index
    %get3A_4 = vector.load %arg1[%get3A_2, %get3A_3] : memref<2048x128xf32, #tpu.memory_space<vmem>>, vector<2048x32xf32>
    %get3A_5 = arith.constant 0 : index
    %get3A_6 = arith.constant 64 : index
    %get3A_7 = vector.load %arg2[%get3A_5, %get3A_6] : memref<2048x128xf32, #tpu.memory_space<vmem>>, vector<2048x32xf32>
    %get3A_8 = arith.constant 0 : index
    %get3A_9 = arith.constant 96 : index
    %get3A_10 = vector.load %arg2[%get3A_8, %get3A_9] : memref<2048x128xf32, #tpu.memory_space<vmem>>, vector<2048x32xf32>
    %get3A_11 = arith.constant 0 : index
    %get3A_12 = arith.constant 0 : index
    %get3A_13 = vector.load %arg3[%get3A_11, %get3A_12] : memref<32x64xf32, #tpu.memory_space<vmem>>, vector<32x64xf32>
    %dot_general3A = arith.constant dense<0.000000e+00> : vector<2048x64xf32>
    %dot_general3A_14 = tpu.matmul %get3A_4, %get3A_13, %dot_general3A {dimension_numbers = #tpu.dot_dimension_numbers<[1], [0], [0], [1], [0, 0, 1, 1], [], []>, transpose_lhs_hint = false} : vector<2048x32xf32>, vector<32x64xf32>, vector<2048x64xf32> -> vector<2048x64xf32>
    %get3A_15 = arith.constant 0 : index
    %get3A_16 = arith.constant 0 : index
    %get3A_17 = vector.load %arg4[%get3A_15, %get3A_16] : memref<32x64xf32, #tpu.memory_space<vmem>>, vector<32x64xf32>
    %dot_general3A_18 = arith.constant dense<0.000000e+00> : vector<2048x64xf32>
    %dot_general3A_19 = tpu.matmul %get3A_10, %get3A_17, %dot_general3A_18 {dimension_numbers = #tpu.dot_dimension_numbers<[1], [0], [0], [1], [0, 0, 1, 1], [], []>, transpose_lhs_hint = false} : vector<2048x32xf32>, vector<32x64xf32>, vector<2048x64xf32> -> vector<2048x64xf32>
    %add3A = arith.addf %dot_general3A_14, %dot_general3A_19 : vector<2048x64xf32>
    %get3A_20 = arith.constant 0 : index
    %get3A_21 = arith.constant 0 : index
    %get3A_22 = vector.load %arg5[%get3A_20, %get3A_21] : memref<1x64xf32, #tpu.memory_space<vmem>>, vector<1x64xf32>
    %add3A_23 = vector.broadcast %get3A_22 : vector<1x64xf32> to vector<2048x64xf32>
    %add3A_24 = arith.addf %add3A, %add3A_23 : vector<2048x64xf32>
    %max3A = arith.constant 0.000000e+00 : f32
    %max3A_25 = vector.broadcast %max3A : f32 to vector<2048x64xf32>
    %max3A_26 = arith.maximumf %add3A_24, %max3A_25 : vector<2048x64xf32>
    %get3A_27 = arith.constant 0 : index
    %get3A_28 = arith.constant 0 : index
    %get3A_29 = vector.load %arg6[%get3A_27, %get3A_28] : memref<64x32xf32, #tpu.memory_space<vmem>>, vector<64x32xf32>
    %dot_general3A_30 = arith.constant dense<0.000000e+00> : vector<2048x32xf32>
    %dot_general3A_31 = tpu.matmul %max3A_26, %get3A_29, %dot_general3A_30 {dimension_numbers = #tpu.dot_dimension_numbers<[1], [0], [0], [1], [0, 0, 1, 1], [], []>, transpose_lhs_hint = false} : vector<2048x64xf32>, vector<64x32xf32>, vector<2048x32xf32> -> vector<2048x32xf32>
    %get3A_32 = arith.constant 0 : index
    %get3A_33 = arith.constant 0 : index
    %get3A_34 = vector.load %arg7[%get3A_32, %get3A_33] : memref<1x32xf32, #tpu.memory_space<vmem>>, vector<1x32xf32>
    %add3A_35 = vector.broadcast %get3A_34 : vector<1x32xf32> to vector<2048x32xf32>
    %add3A_36 = arith.addf %dot_general3A_31, %add3A_35 : vector<2048x32xf32>
    %max3A_37 = arith.constant 0.000000e+00 : f32
    %max3A_38 = vector.broadcast %max3A_37 : f32 to vector<2048x32xf32>
    %max3A_39 = arith.maximumf %add3A_36, %max3A_38 : vector<2048x32xf32>
    %get3A_40 = arith.constant 0 : index
    %get3A_41 = arith.constant 0 : index
    %get3A_42 = vector.load %arg8[%get3A_40, %get3A_41] : memref<32x16xf32, #tpu.memory_space<vmem>>, vector<32x16xf32>
    %dot_general3A_43 = arith.constant dense<0.000000e+00> : vector<2048x16xf32>
    %dot_general3A_44 = tpu.matmul %max3A_39, %get3A_42, %dot_general3A_43 {dimension_numbers = #tpu.dot_dimension_numbers<[1], [0], [0], [1], [0, 0, 1, 1], [], []>, transpose_lhs_hint = false} : vector<2048x32xf32>, vector<32x16xf32>, vector<2048x16xf32> -> vector<2048x16xf32>
    %get3A_45 = arith.constant 0 : index
    %get3A_46 = arith.constant 0 : index
    %get3A_47 = vector.load %arg9[%get3A_45, %get3A_46] : memref<1x16xf32, #tpu.memory_space<vmem>>, vector<1x16xf32>
    %add3A_48 = vector.broadcast %get3A_47 : vector<1x16xf32> to vector<2048x16xf32>
    %add3A_49 = arith.addf %dot_general3A_44, %add3A_48 : vector<2048x16xf32>
    %max3A_50 = arith.constant 0.000000e+00 : f32
    %max3A_51 = vector.broadcast %max3A_50 : f32 to vector<2048x16xf32>
    %max3A_52 = arith.maximumf %add3A_49, %max3A_51 : vector<2048x16xf32>
    %mul3A = arith.mulf %get3A_1, %get3A_7 : vector<2048x32xf32>
    %get3A_53 = arith.constant 0 : index
    %get3A_54 = arith.constant 0 : index
    %get3A_55 = vector.load %arg10[%get3A_53, %get3A_54] : memref<1x32xf32, #tpu.memory_space<vmem>>, vector<1x32xf32>
    %mul3A_56 = vector.broadcast %get3A_55 : vector<1x32xf32> to vector<2048x32xf32>
    %mul3A_57 = arith.mulf %mul3A, %mul3A_56 : vector<2048x32xf32>
    %reduce_sum3A = arith.constant dense<0.000000e+00> : vector<2048xf32>
    %reduce_sum3A_58 = vector.multi_reduction <add>, %mul3A_57, %reduce_sum3A [1] : vector<2048x32xf32> to vector<2048xf32>
    %get3A_59 = arith.constant 0 : index
    %get3A_60 = arith.constant 0 : index
    %get3A_61 = vector.load %arg11[%get3A_59, %get3A_60] : memref<1x16xf32, #tpu.memory_space<vmem>>, vector<1x16xf32>
    %mul3A_62 = vector.broadcast %get3A_61 : vector<1x16xf32> to vector<2048x16xf32>
    %mul3A_63 = arith.mulf %max3A_52, %mul3A_62 : vector<2048x16xf32>
    %reduce_sum3A_64 = arith.constant dense<0.000000e+00> : vector<2048xf32>
    %reduce_sum3A_65 = vector.multi_reduction <add>, %mul3A_63, %reduce_sum3A_64 [1] : vector<2048x16xf32> to vector<2048xf32>
    %add3A_66 = arith.addf %reduce_sum3A_58, %reduce_sum3A_65 : vector<2048xf32>
    %get3A_67 = arith.constant 0 : index
    %get3A_68 = arith.constant 0 : index
    %get3A_69 = vector.load %arg12[%get3A_67, %get3A_68] : memref<1x1xf32, #tpu.memory_space<vmem>>, vector<1x1xf32>
    %get3A_70 = vector.extract %get3A_69[0, 0] : f32 from vector<1x1xf32>
    %add3A_71 = vector.broadcast %get3A_70 : f32 to vector<2048xf32>
    %add3A_72 = arith.addf %add3A_66, %add3A_71 : vector<2048xf32>
    %swap3A = arith.constant 0 : index
    %swap3A_73 = vector.load %arg13[%swap3A] : memref<2048xf32, #tpu.memory_space<vmem>>, vector<2048xf32>
    tpu.vector_store %arg13[%swap3A], %add3A_72 {strides = array<i32>} : memref<2048xf32, #tpu.memory_space<vmem>>, vector<2048xf32>,
    return
  }
  func.func @transform_0(%arg0: i32) -> (i32, i32) {
    %c0_i32 = arith.constant 0 : i32
    %c0_i32_0 = arith.constant 0 : i32
    return %arg0, %c0_i32 : i32, i32
  }
  func.func @transform_1(%arg0: i32) -> (i32, i32) {
    %c0_i32 = arith.constant 0 : i32
    %c0_i32_0 = arith.constant 0 : i32
    return %arg0, %c0_i32 : i32, i32
  }
  func.func @transform_2(%arg0: i32) -> (i32, i32) {
    %c0_i32 = arith.constant 0 : i32
    %c0_i32_0 = arith.constant 0 : i32
    %c0_i32_1 = arith.constant 0 : i32
    return %c0_i32, %c0_i32_0 : i32, i32
  }
  func.func @transform_3(%arg0: i32) -> (i32, i32) {
    %c0_i32 = arith.constant 0 : i32
    %c0_i32_0 = arith.constant 0 : i32
    %c0_i32_1 = arith.constant 0 : i32
    return %c0_i32, %c0_i32_0 : i32, i32
  }
  func.func @transform_4(%arg0: i32) -> (i32, i32) {
    %c0_i32 = arith.constant 0 : i32
    %c0_i32_0 = arith.constant 0 : i32
    %c0_i32_1 = arith.constant 0 : i32
    return %c0_i32, %c0_i32_0 : i32, i32
  }
  func.func @transform_5(%arg0: i32) -> (i32, i32) {
    %c0_i32 = arith.constant 0 : i32
    %c0_i32_0 = arith.constant 0 : i32
    %c0_i32_1 = arith.constant 0 : i32
    return %c0_i32, %c0_i32_0 : i32, i32
  }
  func.func @transform_6(%arg0: i32) -> (i32, i32) {
    %c0_i32 = arith.constant 0 : i32
    %c0_i32_0 = arith.constant 0 : i32
    %c0_i32_1 = arith.constant 0 : i32
    return %c0_i32, %c0_i32_0 : i32, i32
  }
  func.func @transform_7(%arg0: i32) -> (i32, i32) {
    %c0_i32 = arith.constant 0 : i32
    %c0_i32_0 = arith.constant 0 : i32
    %c0_i32_1 = arith.constant 0 : i32
    return %c0_i32, %c0_i32_0 : i32, i32
  }
  func.func @transform_8(%arg0: i32) -> (i32, i32) {
    %c0_i32 = arith.constant 0 : i32
    %c0_i32_0 = arith.constant 0 : i32
    %c0_i32_1 = arith.constant 0 : i32
    return %c0_i32, %c0_i32_0 : i32, i32
  }
  func.func @transform_9(%arg0: i32) -> (i32, i32) {
    %c0_i32 = arith.constant 0 : i32
    %c0_i32_0 = arith.constant 0 : i32
    %c0_i32_1 = arith.constant 0 : i32
    return %c0_i32, %c0_i32_0 : i32, i32
  }
  func.func @transform_10(%arg0: i32) -> (i32, i32) {
    %c0_i32 = arith.constant 0 : i32
    %c0_i32_0 = arith.constant 0 : i32
    %c0_i32_1 = arith.constant 0 : i32
    return %c0_i32, %c0_i32_0 : i32, i32
  }
  func.func @transform_11(%arg0: i32) -> (i32, i32) {
    %c0_i32 = arith.constant 0 : i32
    %c0_i32_0 = arith.constant 0 : i32
    %c0_i32_1 = arith.constant 0 : i32
    return %c0_i32, %c0_i32_0 : i32, i32
  }
  func.func @transform_12(%arg0: i32) -> i32 {
    %c0_i32 = arith.constant 0 : i32
    return %arg0 : i32
  }
}

</mosaic_0001>

<sc_bundles>
// kernel: kernel.4.cloned.1.call-start
scs
__scs_entry_jumppad:
0x0: {  	(pc) =	sbr.rel $0x88, $3  }
0x1: {  	(tag) =	ssettag $0x0;
	lr =	simm.s32 $0x1  }
0x2: {  	[smem:$0x3F93] =	sst lr;
	_ =	strace $0xD0000000  }
0x3: {  	_ = 	snop  }
0x4: {  	_ = 	snop  }
0x5: {  	_ = 	snop  }
0x6: {  	_ = 	snop  }
0x7: {  	_ = 	snop  }
__scs_overlays_trampoline_lowered:
0x8: {  	[smem:$0x3FA2] =	sst s0  }
0x9: {  	[smem:$0x3FA3] =	sst s1  }
0xa: {  	[smem:$0x3FA4] =	sst s2  }
0xb: {  	[smem:$0x3FA5] =	sst s3  }
0xc: {  	[smem:$0x3FA6] =	sst s4  }
0xd: {  	[smem:$0x3FA7] =	sst s5  }
0xe: {  	[smem:$0x3FA8] =	sst s6  }
0xf: {  	[smem:$0x3FA9] =	sst s7  }
0x10: {  	[smem:$0x3FAA] =	sst s8  }
0x11: {  	[smem:$0x3FAB] =	sst s9;
	s0 =	simm.s32 @!p0 $0x0  }
0x12: {  	s1 =	sld [smem:$0x3F91];
	s0 =	simm.s32 @p0 $0x1  }
0x13: {  	[smem:$0x3FAC] =	sst s0;
	s0 =	simm.s32 @!p1 $0x0  }
0x14: {  	s2 =	sld [smem:$0x3F90];
	s0 =	simm.s32 @p1 $0x1  }
0x15: {  	[smem:$0x3FAD] =	sst s0;
	s0 =	simm.s32 @!p2 $0x0  }
0x16: {  	s3 =	sld [smem:$0x3FDB];
	s0 =	simm.s32 @p2 $0x1  }
0x17: {  	s4 =	simm.s32 $0x1BF5;
	[smem:$0x3FAF] =	sst s0  }
0x18: {  	s0 =	sld [smem:$0x3F92];
	_ =	swait.ge [sflag:s4], $0x0  }
0x19: {  	s7 =	sld [smem:$0x3F93]  }
0x1a: {  	s8 =	sadd.s32 $0xFFFFE003, lr  }
0x1b: {  	s9 =	sadd.s32 $0xFFFFFEF7, lr;
	s5 =	simm.s32 $0xFFFFFFFF;
	p2 =	slt.u32 s8, $0xFFFFF086  }
0x1c: {  	p1 =	slt.u32 s9, $0xF7A;
	s5 =	simm.s32 @!p2 $0x0  }
0x1d: {  	s5 =	simm.s32 @p1 $0x1;
	p0 =	seq.s32 s7, s2  }
0x1e: {  	s7 =	smul.u32 @!p0 $0xF7A, s2;
	p2 =	seq.s32 @!p0 s5, $0x0  }
0x1f: {  	s9 =	smul.u32 $0xF7A, s1;
	s8 =	simm.s32 @!p0 $0x1BF5;
	p2 =	por !p2, p0  }
0x20: {  	[sflag:s8] =	ssyncset.s32 @!p0 $0xFFFFF086;
	s6 =	sadd.s32 @!p0 s3, s7;
	s7 =	simm.s32 @!p0 $0x108  }
0x21: {  	s3 =	sadd.s32 s3, s9;
	s6 =	sadd.s32 @!p0 $0x88, s6;
	s7 =	simm.s32 @p2 $0x1082  }
0x22: {  	[simem:s7], [sflag:s8] =	dma.local @!p0 [hbm:s6], $0xF7A  }
0x23: {  	s9 =	sor.u32 $0xD0000000, s2;
	s6 =	simm.s32 $0x108;
	_ =	swait.ge @!p0 [sflag:s8], $0x0  }
0x24: {  	s3 =	sadd.s32 $0x88, s3;
	s6 =	simm.s32 @!p1 $0x1082;
	[sflag:s4] =	ssyncset.s32 $0xFFFFF086  }
0x25: {  	[simem:s6], [sflag:s4] =	dma.local [hbm:s3], $0xF7A  }
0x26: {  	[smem:$0x3F93] =	sst s1;
	(tag) =	ssettag s2;
	_ =	strace s9  }
0x27: {  	s1 =	sld [smem:$0x3FA3]  }
0x28: {  	s2 =	sld [smem:$0x3FA4]  }
0x29: {  	s4 =	sld [smem:$0x3FA6]  }
0x2a: {  	p0 =	seq.s32 s5, $0x0;
	s5 =	sld [smem:$0x3FA7]  }
0x2b: {  	s6 =	sld [smem:$0x3FA8]  }
0x2c: {  	s7 =	sld [smem:$0x3FA9]  }
0x2d: {  	s3 =	simm.s32 $0x108;
	s8 =	sld [smem:$0x3FAA]  }
0x2e: {  	s3 =	simm.s32 @!p0 $0x1082;
	s9 =	sld [smem:$0x3FAB]  }
0x2f: {  	lr =	sadd.s32 s0, s3;
	s0 =	sld [smem:$0x3FA2]  }
0x30: {  	s3 =	sld [smem:$0x3FA5]  }
0x31: {  	[smem:$0x3FAE] =	sst s10  }
0x32: {  	s10 =	sld [smem:$0x3FAC];
	_ =	sdelay $0x3  }
0x33: {  	p0 =	seq.s32 s10, $0x1;
	s10 =	sld [smem:$0x3FAE];
	_ =	sdelay $0x3  }
0x34: {  	[smem:$0x3FAE] =	sst s10  }
0x35: {  	s10 =	sld [smem:$0x3FAD];
	_ =	sdelay $0x3  }
0x36: {  	p1 =	seq.s32 s10, $0x1;
	s10 =	sld [smem:$0x3FAE];
	_ =	sdelay $0x3  }
0x37: {  	[smem:$0x3FAE] =	sst s10  }
0x38: {  	s10 =	sld [smem:$0x3FAF]  }
0x39: {  	_ = 	snop;
	(pc) =	sbr.ind lr, $3  }
0x3a: {  	_ = 	snop  }
0x3b: {  	_ = 	snop  }
0x3c: {  	p2 =	seq.s32 s10, $0x1;
	s10 =	sld [smem:$0x3FAE]  }
0x3d: {  	_ =	shalt  }
0x3e: {  	_ =	shalt  }
0x3f: {  	_ =	shalt  }
0x40: {  	_ =	shalt  }
0x41: {  	_ =	shalt  }
0x42: {  	_ =	shalt  }
0x43: {  	_ =	shalt  }
0x44: {  	_ =	shalt  }
0x45: {  	_ =	shalt  }
0x46: {  	_ =	shalt  }
0x47: {  	_ =	shalt  }
0x48: {  	_ =	shalt  }
0x49: {  	_ =	shalt  }
0x4a: {  	_ =	shalt  }
0x4b: {  	_ =	shalt  }
0x4c: {  	_ =	shalt  }
0x4d: {  	_ =	shalt  }
0x4e: {  	_ =	shalt  }
0x4f: {  	_ =	shalt  }
0x50: {  	_ =	shalt  }
0x51: {  	_ =	shalt  }
0x52: {  	_ =	shalt  }
0x53: {  	_ =	shalt  }
0x54: {  	_ =	shalt  }
0x55: {  	_ =	shalt  }
0x56: {  	_ =	shalt  }
0x57: {  	_ =	shalt  }
0x58: {  	_ =	shalt  }
0x59: {  	_ =	shalt  }
0x5a: {  	_ =	shalt  }
0x5b: {  	_ =	shalt  }
0x5c: {  	_ =	shalt  }
0x5d: {  	_ =	shalt  }
0x5e: {  	_ =	shalt  }
0x5f: {  	_ =	shalt  }
0x60: {  	_ =	shalt  }
0x61: {  	_ =	shalt  }
0x62: {  	_ =	shalt  }
0x63: {  	_ =	shalt  }
0x64: {  	_ =	shalt  }
0x65: {  	_ =	shalt  }
0x66: {  	_ =	shalt  }
0x67: {  	_ =	shalt  }
0x68: {  	_ =	shalt  }
0x69: {  	_ =	shalt  }
0x6a: {  	_ =	shalt  }
0x6b: {  	_ =	shalt  }
0x6c: {  	_ =	shalt  }
0x6d: {  	_ =	shalt  }
0x6e: {  	_ =	shalt  }
0x6f: {  	_ =	shalt  }
0x70: {  	_ =	shalt  }
0x71: {  	_ =	shalt  }
0x72: {  	_ =	shalt  }
0x73: {  	_ =	shalt  }
0x74: {  	_ =	shalt  }
0x75: {  	_ =	shalt  }
0x76: {  	_ =	shalt  }
0x77: {  	_ =	shalt  }
0x78: {  	_ =	shalt  }
0x79: {  	_ =	shalt  }
0x7a: {  	_ =	shalt  }
0x7b: {  	_ =	shalt  }
0x7c: {  	_ =	shalt  }
0x7d: {  	_ =	shalt  }
0x7e: {  	_ =	shalt  }
0x7f: {  	_ =	shalt  }
0x80: {  	_ =	shalt  }
0x81: {  	_ =	shalt  }
0x82: {  	_ =	shalt  }
0x83: {  	_ =	shalt  }
0x84: {  	_ =	shalt  }
0x85: {  	_ =	shalt  }
0x86: {  	_ =	shalt  }
0x87: {  	_ =	shalt  }
.Lfunc_end0:
.L_simem_size_0:
called_computation_lowered:
.L_overlay_start_0:
0x88: {  	s2 =	sld [smem:$0x3FD9]  }
0x89: {  	s3 =	sld [smem:$0x3FFE];
	_ =	sdelay $0x1  }
0x8a: {  	s1 =	srdreg.scid  }
0x8b: {  	s0 =	sand.u32 $0x1, s1  }
0x8c: {  	s17 =	sshll.u32 s0, $0xA;
	s2 =	sadd.s32 s3, s2  }
0x8d: {  	s2 =	sadd.s32 s2, s17  }
0x8e: {  	[smem:$0x3FBA] =	sst s2  }
0x8f: {  	_ = 	snop  }
0x90: {  	s2 =	sld [smem:$0x3FC9]  }
0x91: {  	s18 =	sld [smem:$0x3FC8];
	(tm) =	ssettm $0x1  }
0x92: {  	s4 =	sld [smem:$0x3FFB];
	_ =	sdelay $0x3  }
0x93: {  	_ =	strace s4  }
0x94: {  	s4 =	sld [smem:$0x3FFC];
	_ =	sdelay $0x3  }
0x95: {  	_ =	strace s4  }
0x96: {  	s4 =	sld [smem:$0x3FFD];
	_ =	sdelay $0x3  }
0x97: {  	_ =	strace s4  }
0x98: {  	_ =	strace $0x8FFFFFFF  }
0x99: {  	s19 =	sld [smem:$0x3FDB];
	_ =	sdelay $0x1  }
0x9a: {  	s5 =	simm.s32 $_scs_section_size  }
0x9b: {  	s6 =	simm.s32 $_size__tile_overlayer_lowered;
	s7 =	simm.s32 $_tile_overlayer_lowered  }
0x9c: {  	s22 =	simm.s32 $0x1BFF;
	s21 =	sshll.u32 s7, $0x1;
	s4 =	sadd.s32 s5, s19  }
0x9d: {  	s8 =	simm.s32 $0x0;
	s20 =	sshll.u32 s6, $0x1;
	s6 =	sadd.s32 s21, s4  }
0x9e: {  	[timem:s8], [sflag:s22] =	dma.local [hbm:s6], s20  }
0x9f: {  	_ =	swait.ge [sflag:s22], s20  }
0xa0: {  	s5 =	ssub.s32 $0x0, s20;
	[sflag:s22] =	ssyncset.done $0x0  }
0xa1: {  	[sflag:s22] =	ssyncadd.s32 s5;
	_ =	sdelay $0x1  }
0xa2: {  	s23 =	simm.s32 $0x1B8B  }
0xa3: {  	_ =	swait.ge [sflag:s23], $0x1  }
0xa4: {  	[sflag:s23] =	ssyncset.done $0x0  }
0xa5: {  	s25 =	simm.s32 $0x1B8E;
	s24 =	sld [smem:$0x3FFE];
	[sflag:s23] =	ssyncadd.s32 $0xFFFFFFFF  }
0xa6: {  	s26 =	simm.s32 $execute0_lowered;
	[smem:$0x3FD2] =	sst s25  }
0xa7: {  	s6 =	sshll.u32 s26, $0x1;
	_ =	strace $0x80000046;
	[dreg:$0x1] =	wrdreg $0xFFFFFFFF  }
0xa8: {  	s28 =	simm.s32 $_size_execute0_lowered;
	s4 =	sadd.s32 s4, s6;
	[dreg:$0x0] =	wrdreg $0x0  }
0xa9: {  	s6 =	sshll.u32 s28, $0x1;
	[dreg:$0x2] =	wrdreg s4  }
0xaa: {  	[dreg:$0x3] =	wrdreg s6  }
0xab: {  	[dreg:$0x4] =	wrdreg $0xC0  }
0xac: {  	_ =	task [dreg:s8], $0x5FFFF  }
0xad: {  	[dreg:$0x1] =	wrdreg $0xFFFFFFFF  }
0xae: {  	[dreg:$0x0] =	wrdreg $0x60  }
0xaf: {  	[dreg:$0x2] =	wrdreg s2  }
0xb0: {  	[dreg:$0x3] =	wrdreg s18  }
0xb1: {  	[dreg:$0x4] =	wrdreg s24  }
0xb2: {  	[dreg:$0x5] =	wrdreg $0x9  }
0xb3: {  	_ =	task.clear_ibuf [dreg:s8], $0x6FFFF;
	_ =	strace $0x90000046  }
0xb4: {  	s29 =	simm.s32 $0x9;
	_ =	strace $0x80000048  }
0xb5: {  	_ =	swait.ge [sflag:s29], $0x1  }
0xb6: {  	[sflag:s29] =	ssyncadd.s32 $0xFFFFFFFF  }
0xb7: {  	_ =	strace $0x90000048  }
0xb8: {  	_ =	sfence  }
0xb9: {  	s30 =	sld [smem:$0x0];
	_ =	sdelay $0x2  }
0xba: {  	s31 =	sshll.u32 s1, $0xD;
	s1 =	sshrl.u32 s1, $0x2  }
0xbb: {  	s3 =	sand.u32 $0x4000, s31;
	s1 =	sadd.s32 s1, s30  }
0xbc: {  	s0 =	sor.u32 s3, s0;
	s1 =	sshll.u32 s1, $0x11  }
0xbd: {  	s0 =	sor.u32 s1, s0  }
0xbe: {  	s0 =	sadd.s32 $0x8F2B, s0  }
0xbf: {  	[sflag:s0] =	ssyncadd.remote.s32 $0x1  }
0xc0: {  	_ =	sfence.sel $0xFFFF  }
0xc1: {  	[dreg:$0x0] =	wrdreg $0xFFFFFFFF;
	(pc) =	sbr.abs _section_cstart, $3  }
0xc2: {  	[dreg:$0x1] =	wrdreg $0xFFFFFFFF  }
0xc3: {  	_ =	task.clear_ibuf [dreg:s8], $0x2FFFF;
	_ =	strace $0x9FFFFFFF  }
0xc4: {  	(tm) =	ssettm $0x7FFFFFFF  }
0xc5: {  	_ =	shalt  }
tec
execute0_lowered:
.L_overlay_start_1:
0x0: {  	(tag) =	ssettag $0x1  }
0x1: {  	s3 =	rddreg [dreg:$0x0]  }
0x2: {  	s5 =	rddreg [dreg:$0x1]  }
0x3: {  	s12 =	rddreg [dreg:$0x2];
	s2 =	srdreg.scid  }
0x4: {  	s0 =	rddreg [dreg:$0x3];
	s1 =	stileid.u32;
	s26 =	sand.u32 $0x1, s2  }
0x5: {  	s2 =	simm.s32 $0x0;
	s4 =	sshll.u32 s1, $0x7;
	s6 =	sshll.u32 s26, $0x6  }
0x6: {  	[smem:$0x7FF] =	sst s2;
	s6 =	sor.u32 s6, s4  }
0x7: {  	_ =	strace $0x80000047;
	s4 =	simm.s32 $0x3;
	s3 =	sadd.s32 s3, s6  }
0x8: {  	[tilespmem:s2], [sflag:$0x3] =	stream.linear.gather [hbm4b:s3+s2], $0x200, $0x38;
	[tilespmem:$0x8400] =	vst v63  }
0x9: {  	_ =	swait.ge [sflag:s4], $0x200  }
0xa: {  	[sflag:s4] =	ssyncset.done $0x0  }
0xb: {  	s5 =	sadd.s32 s5, s6;
	s6 =	simm.s32 $0x200;
	[sflag:s4] =	ssyncadd.s32 $0xFFFFFE00  }
0xc: {  	[tilespmem:s6], [sflag:$0x3] =	stream.linear.gather [hbm4b:s5+s2], $0x200, $0x38;
	[tilespmem:$0x8400] =	vst v63  }
0xd: {  	_ =	swait.ge [sflag:s4], $0x200  }
0xe: {  	s8 =	simm.s32 $0x80;
	[sflag:s4] =	ssyncset.done $0x0  }
0xf: {  	s9 =	simm.s32 $0x400;
	s7 =	sadd.s32 $0x3D0AC00, s12;
	[sflag:s4] =	ssyncadd.s32 $0xFFFFFE00  }
0x10: {  	[tilespmem:s9], [sflag:$0x1] =	stream.indirect.gather [hbm4b:s7+s8], $0x80, s2, s8, $0xb8;
	[tilespmem:$0x8400] =	vst v63  }
0x11: {  	s10 =	simm.s32 $0x4400;
	s11 =	simm.s32 $0x1  }
0x12: {  	[tilespmem:s10], [sflag:$0x1] =	stream.indirect.gather [hbm4b:s7+s8], $0x80, s6, s8, $0xb8;
	[tilespmem:$0x8400] =	vst v63  }
0x13: {  	_ =	swait.ge [sflag:s11], $0x4000  }
0x14: {  	[sflag:s11] =	ssyncset.done $0x0  }
0x15: {  	[sflag:s11] =	ssyncadd.s32 $0xFFFFC000  }
0x16: {  	s13 =	sshll.u32 s1, $0xE;
	s14 =	sshll.u32 s26, $0xD;
	_ =	swait.ge [sflag:s11], $0x4000  }
0x17: {  	s24 =	sadd.s32 $0x1C00, s12;
	s28 =	sor.u32 s14, s13;
	[sflag:s11] =	ssyncset.done $0x0  }
0x18: {  	s25 =	sadd.s32 $0x41C00, s12;
	s12 =	sadd.s32 s24, s28;
	[sflag:s11] =	ssyncadd.s32 $0xFFFFC000  }
0x19: {  	[hbm4b:s12+s2] =	stream.linear.scatter [tilespmem:s9], [sflag:$0x2], $0x4000, $0x38;
	[tilespmem:$0x8400] =	vst v63  }
0x1a: {  	s13 =	simm.s32 $0x2;
	s14 =	sadd.s32 s25, s28  }
0x1b: {  	[hbm4b:s14+s2] =	stream.linear.scatter [tilespmem:s10], [sflag:$0x2], $0x4000, $0x38;
	[tilespmem:$0x8400] =	vst v63  }
0x1c: {  	_ =	swait.ge [sflag:s13], $0x4000  }
0x1d: {  	[sflag:s13] =	ssyncset.done $0x0  }
0x1e: {  	[sflag:s13] =	ssyncadd.s32 $0xFFFFC000  }
0x1f: {  	_ =	swait.ge [sflag:s13], $0x4000  }
0x20: {  	[sflag:s13] =	ssyncset.done $0x0  }
0x21: {  	[sflag:s13] =	ssyncadd.s32 $0xFFFFC000  }
0x22: {  	[tilespmem:s9], [sflag:$0x1] =	stream.indirect.gather [hbm4b:s7+s8], $0x80, s8, s8, $0xb8;
	[tilespmem:$0x8400] =	vst v63  }
0x23: {  	s15 =	simm.s32 $0x280  }
0x24: {  	[tilespmem:s10], [sflag:$0x1] =	stream.indirect.gather [hbm4b:s7+s8], $0x80, s15, s8, $0xb8;
	[tilespmem:$0x8400] =	vst v63  }
0x25: {  	_ =	swait.ge [sflag:s11], $0x4000  }
0x26: {  	[sflag:s11] =	ssyncset.done $0x0  }
0x27: {  	[sflag:s11] =	ssyncadd.s32 $0xFFFFC000  }
0x28: {  	_ =	swait.ge [sflag:s11], $0x4000  }
0x29: {  	s17 =	sor.u32 $0x800, s28;
	[sflag:s11] =	ssyncset.done $0x0  }
0x2a: {  	s16 =	sadd.s32 s24, s17;
	[sflag:s11] =	ssyncadd.s32 $0xFFFFC000  }
0x2b: {  	[hbm4b:s16+s2] =	stream.linear.scatter [tilespmem:s9], [sflag:$0x2], $0x4000, $0x38;
	[tilespmem:$0x8400] =	vst v63  }
0x2c: {  	s17 =	sadd.s32 s25, s17  }
0x2d: {  	[hbm4b:s17+s2] =	stream.linear.scatter [tilespmem:s10], [sflag:$0x2], $0x4000, $0x38;
	[tilespmem:$0x8400] =	vst v63  }
0x2e: {  	_ =	swait.ge [sflag:s13], $0x4000  }
0x2f: {  	[sflag:s13] =	ssyncset.done $0x0  }
0x30: {  	[sflag:s13] =	ssyncadd.s32 $0xFFFFC000  }
0x31: {  	_ =	swait.ge [sflag:s13], $0x4000  }
0x32: {  	[sflag:s13] =	ssyncset.done $0x0  }
0x33: {  	s18 =	simm.s32 $0x100;
	[sflag:s13] =	ssyncadd.s32 $0xFFFFC000  }
0x34: {  	[tilespmem:s9], [sflag:$0x1] =	stream.indirect.gather [hbm4b:s7+s8], $0x80, s18, s8, $0xb8;
	[tilespmem:$0x8400] =	vst v63  }
0x35: {  	s19 =	simm.s32 $0x300  }
0x36: {  	[tilespmem:s10], [sflag:$0x1] =	stream.indirect.gather [hbm4b:s7+s8], $0x80, s19, s8, $0xb8;
	[tilespmem:$0x8400] =	vst v63  }
0x37: {  	_ =	swait.ge [sflag:s11], $0x4000  }
0x38: {  	[sflag:s11] =	ssyncset.done $0x0  }
0x39: {  	[sflag:s11] =	ssyncadd.s32 $0xFFFFC000  }
0x3a: {  	_ =	swait.ge [sflag:s11], $0x4000  }
0x3b: {  	s21 =	sor.u32 $0x1000, s28;
	[sflag:s11] =	ssyncset.done $0x0  }
0x3c: {  	s20 =	sadd.s32 s24, s21;
	[sflag:s11] =	ssyncadd.s32 $0xFFFFC000  }
0x3d: {  	[hbm4b:s20+s2] =	stream.linear.scatter [tilespmem:s9], [sflag:$0x2], $0x4000, $0x38;
	[tilespmem:$0x8400] =	vst v63  }
0x3e: {  	s21 =	sadd.s32 s25, s21  }
0x3f: {  	[hbm4b:s21+s2] =	stream.linear.scatter [tilespmem:s10], [sflag:$0x2], $0x4000, $0x38;
	[tilespmem:$0x8400] =	vst v63  }
0x40: {  	_ =	swait.ge [sflag:s13], $0x4000  }
0x41: {  	[sflag:s13] =	ssyncset.done $0x0  }
0x42: {  	[sflag:s13] =	ssyncadd.s32 $0xFFFFC000  }
0x43: {  	_ =	swait.ge [sflag:s13], $0x4000  }
0x44: {  	[sflag:s13] =	ssyncset.done $0x0  }
0x45: {  	s22 =	simm.s32 $0x180;
	[sflag:s13] =	ssyncadd.s32 $0xFFFFC000  }
0x46: {  	[tilespmem:s9], [sflag:$0x1] =	stream.indirect.gather [hbm4b:s7+s8], $0x80, s22, s8, $0xb8;
	[tilespmem:$0x8400] =	vst v63  }
0x47: {  	s23 =	simm.s32 $0x380  }
0x48: {  	[tilespmem:s10], [sflag:$0x1] =	stream.indirect.gather [hbm4b:s7+s8], $0x80, s23, s8, $0xb8;
	[tilespmem:$0x8400] =	vst v63  }
0x49: {  	_ =	swait.ge [sflag:s11], $0x4000  }
0x4a: {  	[sflag:s11] =	ssyncset.done $0x0  }
0x4b: {  	s26 =	ssub.s32 $0x2, s26;
	[sflag:s11] =	ssyncadd.s32 $0xFFFFC000  }
0x4c: {  	s31 =	sshrl.u32 s26, $0x1;
	_ =	swait.ge [sflag:s11], $0x4000  }
0x4d: {  	s28 =	sor.u32 $0x1800, s28;
	s26 =	ssub.s32 s26, s31;
	[sflag:s11] =	ssyncset.done $0x0  }
0x4e: {  	s24 =	sadd.s32 s24, s28;
	s26 =	smax.u32 s26, $0x1;
	[sflag:s11] =	ssyncadd.s32 $0xFFFFC000  }
0x4f: {  	[hbm4b:s24+s2] =	stream.linear.scatter [tilespmem:s9], [sflag:$0x2], $0x4000, $0x38;
	[tilespmem:$0x8400] =	vst v63  }
0x50: {  	s25 =	sadd.s32 s25, s28;
	p0 =	sne.s32 s26, $0x1  }
0x51: {  	[hbm4b:s25+s2] =	stream.linear.scatter [tilespmem:s10], [sflag:$0x2], $0x4000, $0x38;
	[tilespmem:$0x8400] =	vst v63  }
.Ltmp0:
0x52: {  	_ =	swait.ge [sflag:s13], $0x4000;
	(pc) =	sbr.rel @!p0 .LBB2_2-.Ltmp0, $4  }
0x53: {  	[sflag:s13] =	ssyncset.done $0x0  }
0x54: {  	[sflag:s13] =	ssyncadd.s32 $0xFFFFC000  }
0x55: {  	_ =	swait.ge [sflag:s13], $0x4000  }
0x56: {  	s26 =	sadd.s32 $0xFFFFFFFF, s26;
	[sflag:s13] =	ssyncset.done $0x0  }
.LBB2_1:
0x57: {  	p0 =	sne.s32 s26, $0x1;
	s26 =	sadd.s32 $0xFFFFFFFF, s26;
	[sflag:s13] =	ssyncadd.s32 $0xFFFFC000  }
0x58: {  	[tilespmem:s2], [sflag:$0x3] =	stream.linear.gather [hbm4b:s3+s2], $0x200, $0x38;
	[tilespmem:$0x8400] =	vst v63  }
0x59: {  	_ =	swait.ge [sflag:s4], $0x200  }
0x5a: {  	[sflag:s4] =	ssyncset.done $0x0  }
0x5b: {  	[sflag:s4] =	ssyncadd.s32 $0xFFFFFE00  }
0x5c: {  	[tilespmem:s6], [sflag:$0x3] =	stream.linear.gather [hbm4b:s5+s2], $0x200, $0x38;
	[tilespmem:$0x8400] =	vst v63  }
0x5d: {  	_ =	swait.ge [sflag:s4], $0x200  }
0x5e: {  	[sflag:s4] =	ssyncset.done $0x0  }
0x5f: {  	[sflag:s4] =	ssyncadd.s32 $0xFFFFFE00  }
0x60: {  	[tilespmem:s9], [sflag:$0x1] =	stream.indirect.gather [hbm4b:s7+s8], $0x80, s2, s8, $0xb8;
	[tilespmem:$0x8400] =	vst v63  }
0x61: {  	_ = 	snop  }
0x62: {  	[tilespmem:s10], [sflag:$0x1] =	stream.indirect.gather [hbm4b:s7+s8], $0x80, s6, s8, $0xb8;
	[tilespmem:$0x8400] =	vst v63  }
0x63: {  	_ =	swait.ge [sflag:s11], $0x4000  }
0x64: {  	[sflag:s11] =	ssyncset.done $0x0  }
0x65: {  	[sflag:s11] =	ssyncadd.s32 $0xFFFFC000  }
0x66: {  	_ =	swait.ge [sflag:s11], $0x4000  }
0x67: {  	[sflag:s11] =	ssyncset.done $0x0  }
0x68: {  	[sflag:s11] =	ssyncadd.s32 $0xFFFFC000  }
0x69: {  	[hbm4b:s12+s2] =	stream.linear.scatter [tilespmem:s9], [sflag:$0x2], $0x4000, $0x38;
	[tilespmem:$0x8400] =	vst v63  }
0x6a: {  	_ = 	snop  }
0x6b: {  	[hbm4b:s14+s2] =	stream.linear.scatter [tilespmem:s10], [sflag:$0x2], $0x4000, $0x38;
	[tilespmem:$0x8400] =	vst v63  }
0x6c: {  	_ =	swait.ge [sflag:s13], $0x4000  }
0x6d: {  	[sflag:s13] =	ssyncset.done $0x0  }
0x6e: {  	[sflag:s13] =	ssyncadd.s32 $0xFFFFC000  }
0x6f: {  	_ =	swait.ge [sflag:s13], $0x4000  }
0x70: {  	[sflag:s13] =	ssyncset.done $0x0  }
0x71: {  	[sflag:s13] =	ssyncadd.s32 $0xFFFFC000  }
0x72: {  	[tilespmem:s9], [sflag:$0x1] =	stream.indirect.gather [hbm4b:s7+s8], $0x80, s8, s8, $0xb8;
	[tilespmem:$0x8400] =	vst v63  }
0x73: {  	_ = 	snop  }
0x74: {  	[tilespmem:s10], [sflag:$0x1] =	stream.indirect.gather [hbm4b:s7+s8], $0x80, s15, s8, $0xb8;
	[tilespmem:$0x8400] =	vst v63  }
0x75: {  	_ =	swait.ge [sflag:s11], $0x4000  }
0x76: {  	[sflag:s11] =	ssyncset.done $0x0  }
0x77: {  	[sflag:s11] =	ssyncadd.s32 $0xFFFFC000  }
0x78: {  	_ =	swait.ge [sflag:s11], $0x4000  }
0x79: {  	[sflag:s11] =	ssyncset.done $0x0  }
0x7a: {  	[sflag:s11] =	ssyncadd.s32 $0xFFFFC000  }
0x7b: {  	[hbm4b:s16+s2] =	stream.linear.scatter [tilespmem:s9], [sflag:$0x2], $0x4000, $0x38;
	[tilespmem:$0x8400] =	vst v63  }
0x7c: {  	_ = 	snop  }
0x7d: {  	[hbm4b:s17+s2] =	stream.linear.scatter [tilespmem:s10], [sflag:$0x2], $0x4000, $0x38;
	[tilespmem:$0x8400] =	vst v63  }
0x7e: {  	_ =	swait.ge [sflag:s13], $0x4000  }
0x7f: {  	[sflag:s13] =	ssyncset.done $0x0  }
0x80: {  	[sflag:s13] =	ssyncadd.s32 $0xFFFFC000  }
0x81: {  	_ =	swait.ge [sflag:s13], $0x4000  }
0x82: {  	[sflag:s13] =	ssyncset.done $0x0  }
0x83: {  	[sflag:s13] =	ssyncadd.s32 $0xFFFFC000  }
0x84: {  	[tilespmem:s9], [sflag:$0x1] =	stream.indirect.gather [hbm4b:s7+s8], $0x80, s18, s8, $0xb8;
	[tilespmem:$0x8400] =	vst v63  }
0x85: {  	_ = 	snop  }
0x86: {  	[tilespmem:s10], [sflag:$0x1] =	stream.indirect.gather [hbm4b:s7+s8], $0x80, s19, s8, $0xb8;
	[tilespmem:$0x8400] =	vst v63  }
0x87: {  	_ =	swait.ge [sflag:s11], $0x4000  }
0x88: {  	[sflag:s11] =	ssyncset.done $0x0  }
0x89: {  	[sflag:s11] =	ssyncadd.s32 $0xFFFFC000  }
0x8a: {  	_ =	swait.ge [sflag:s11], $0x4000  }
0x8b: {  	[sflag:s11] =	ssyncset.done $0x0  }
0x8c: {  	[sflag:s11] =	ssyncadd.s32 $0xFFFFC000  }
0x8d: {  	[hbm4b:s20+s2] =	stream.linear.scatter [tilespmem:s9], [sflag:$0x2], $0x4000, $0x38;
	[tilespmem:$0x8400] =	vst v63  }
0x8e: {  	_ = 	snop  }
0x8f: {  	[hbm4b:s21+s2] =	stream.linear.scatter [tilespmem:s10], [sflag:$0x2], $0x4000, $0x38;
	[tilespmem:$0x8400] =	vst v63  }
0x90: {  	_ =	swait.ge [sflag:s13], $0x4000  }
0x91: {  	[sflag:s13] =	ssyncset.done $0x0  }
0x92: {  	[sflag:s13] =	ssyncadd.s32 $0xFFFFC000  }
0x93: {  	_ =	swait.ge [sflag:s13], $0x4000  }
0x94: {  	[sflag:s13] =	ssyncset.done $0x0  }
0x95: {  	[sflag:s13] =	ssyncadd.s32 $0xFFFFC000  }
0x96: {  	[tilespmem:s9], [sflag:$0x1] =	stream.indirect.gather [hbm4b:s7+s8], $0x80, s22, s8, $0xb8;
	[tilespmem:$0x8400] =	vst v63  }
0x97: {  	_ = 	snop  }
0x98: {  	[tilespmem:s10], [sflag:$0x1] =	stream.indirect.gather [hbm4b:s7+s8], $0x80, s23, s8, $0xb8;
	[tilespmem:$0x8400] =	vst v63  }
0x99: {  	_ =	swait.ge [sflag:s11], $0x4000  }
0x9a: {  	[sflag:s11] =	ssyncset.done $0x0  }
0x9b: {  	[sflag:s11] =	ssyncadd.s32 $0xFFFFC000  }
0x9c: {  	_ =	swait.ge [sflag:s11], $0x4000  }
0x9d: {  	[sflag:s11] =	ssyncset.done $0x0  }
0x9e: {  	[sflag:s11] =	ssyncadd.s32 $0xFFFFC000  }
0x9f: {  	[hbm4b:s24+s2] =	stream.linear.scatter [tilespmem:s9], [sflag:$0x2], $0x4000, $0x38;
	[tilespmem:$0x8400] =	vst v63  }
0xa0: {  	_ = 	snop  }
0xa1: {  	[hbm4b:s25+s2] =	stream.linear.scatter [tilespmem:s10], [sflag:$0x2], $0x4000, $0x38;
	[tilespmem:$0x8400] =	vst v63  }
.Ltmp1:
0xa2: {  	_ =	swait.ge [sflag:s13], $0x4000;
	(pc) =	sbr.rel @p0 .LBB2_1-.Ltmp1, $4  }
0xa3: {  	[sflag:s13] =	ssyncset.done $0x0  }
0xa4: {  	[sflag:s13] =	ssyncadd.s32 $0xFFFFC000  }
0xa5: {  	_ =	swait.ge [sflag:s13], $0x4000  }
0xa6: {  	[sflag:s13] =	ssyncset.done $0x0  }
.LBB2_2:
0xa7: {  	[sflag:s13] =	ssyncadd.s32 $0xFFFFC000  }
0xa8: {  	_ =	sfence.sel $0x180000  }
0xa9: {  	[bflag:$0x0] =	sbarrier.arrive $0xFFFF  }
0xaa: {  	p0 =	sne.s32 s1, $0x0;
	_ =	strace $0x90000047  }
0xab: {  	s0 =	sadd.s32 @!p0 $0x100000, s0;
	[bflag:$0x2] =	sbarrier.arrive $0xFFFF  }
0xac: {  	[sflag:s0] =	ssyncadd.tile.s32 @!p0 $0x1;
	_ =	shalt  }
.Lfunc_end2:
_tile_overlayer_lowered:
.L_overlay_start_2:
0xad: {  	(tag) =	ssettag $0x2  }
0xae: {  	s0 =	rddreg [dreg:$0x0];
	s2 =	stileid.u32  }
0xaf: {  	s1 =	rddreg [dreg:$0x1];
	p0 =	sne.s32 s2, $0x0  }
0xb0: {  	s3 =	rddreg [dreg:$0x2];
	[bflag:$0x3] =	sbarrier.arrive $0xFFFF;
	s2 =	simm.s32 @!p0 $0x1C03  }
0xb1: {  	[timem:s3], [sflag:s2] =	dma.local @!p0 [hbm:s0], s1  }
0xb2: {  	s0 =	simm.s32 @!p0 $0x3  }
0xb3: {  	_ =	swait.ge @!p0 [sflag:s0], s1  }
0xb4: {  	s1 =	ssub.s32 @!p0 $0x0, s1;
	[sflag:s0] =	ssyncset.done @!p0 $0x0  }
0xb5: {  	[sflag:s0] =	ssyncadd.s32 @!p0 s1  }
0xb6: {  	[bflag:$0x3] =	sbarrier.arrive $0xFFFF  }
0xb7: {  	_ =	shalt  }

</sc_bundles>
